<compile_context>
chip_gen: v7x
topology: tpu7x:2x2x1
jax: 0.10.2.dev20260603
libtpu: 0.0.44.dev20260713+nightly
codegen_flags: <defaults>
</compile_context>

<pallas_src>
import functools

import jax
import jax.numpy as jnp
from jax import lax
from jax.experimental import pallas as pl
from jax.experimental.pallas import tpu as pltpu
from jax.experimental.pallas import tpu_sc as plsc

D = 128
DW = D // 2
E = 320000
NC, NS, L = 2, 16, 16
NW = NC * NS
PER_W = E // NW
C = 80
NCHUNK = PER_W // C
NPAIR = (NCHUNK - 1) // 2


NB = 2


def _sc_kernel(x1_hbm, x2_hbm, i_hbm, out_hbm, *scratch):
  idx1_v, idx2_v = scratch[0], scratch[1]
  rb1 = scratch[2:2 + NB]
  rb2 = scratch[2 + NB:2 + 2 * NB]
  outw_v = scratch[2 + 2 * NB]
  si1, si2 = scratch[3 + 2 * NB], scratch[4 + 2 * NB]
  s1 = scratch[5 + 2 * NB:5 + 3 * NB]
  s2 = scratch[5 + 3 * NB:5 + 4 * NB]

  wid = lax.axis_index("s") * NC + lax.axis_index("c")
  wbase = wid * PER_W
  lane = lax.iota(jnp.int32, L)

  cpi1 = pltpu.async_copy(i_hbm.at[0, pl.ds(wbase, PER_W)], idx1_v, si1)
  cpi2 = pltpu.async_copy(i_hbm.at[1, pl.ds(wbase, PER_W)], idx2_v, si2)
  cpi1.wait()
  cpi2.wait()

  def start(c, b):
    pltpu.async_copy(x1_hbm.at[idx1_v.at[pl.ds(c * C, C)]], rb1[b], s1[b])
    pltpu.async_copy(x2_hbm.at[idx2_v.at[pl.ds(c * C, C)]], rb2[b], s2[b])

  def wait(c, b):
    pltpu.make_async_copy(
        x1_hbm.at[idx1_v.at[pl.ds(c * C, C)]], rb1[b], s1[b]).wait()
    pltpu.make_async_copy(
        x2_hbm.at[idx2_v.at[pl.ds(c * C, C)]], rb2[b], s2[b]).wait()

  def compute(c, b):
    r1, r2 = rb1[b], rb2[b]

    def group_body(g, carry):
      row = g * L + lane

      def j_body(j, accs):
        colj = (lane + j) & (L - 1)
        out = list(accs)
        for k in range(DW // L):
          col = colj + k * L
          w1 = plsc.load_gather(r1, [row, col])
          w2 = plsc.load_gather(r2, [row, col])
          p = plsc.bitcast(w1, jnp.bfloat16) * plsc.bitcast(w2, jnp.bfloat16)
          p0, p1 = plsc.unpack(p, format=plsc.PackFormat.INTERLEAVED)
          out[2 * k] = out[2 * k] + p0
          out[2 * k + 1] = out[2 * k + 1] + p1
        return tuple(out)

      accs = list(lax.fori_loop(
          0, L, j_body,
          tuple(jnp.zeros((L,), jnp.float32) for _ in range(8)),
          unroll=4))
      while len(accs) > 1:
        accs = [a + b for a, b in zip(accs[::2], accs[1::2])]
      outw_v[pl.ds(c * C + g * L, L)] = accs[0]
      return carry
    lax.fori_loop(0, C // L, group_body, 0)

  start(0, 0)

  def pair_body(i, carry):
    c0 = 2 * i
    start(c0 + 1, 1)
    wait(c0, 0)
    compute(c0, 0)
    start(c0 + 2, 0)
    wait(c0 + 1, 1)
    compute(c0 + 1, 1)
    return carry

  lax.fori_loop(0, NPAIR, pair_body, 0)
  wait(NCHUNK - 1, 0)
  compute(NCHUNK - 1, 0)

  pltpu.sync_copy(outw_v, out_hbm.at[pl.ds(wbase, PER_W)])


@functools.partial(
    pl.kernel,
    mesh=plsc.VectorSubcoreMesh(core_axis_name="c", subcore_axis_name="s"),
    out_type=jax.ShapeDtypeStruct((E,), jnp.float32),
    compiler_params=pltpu.CompilerParams(needs_layout_passes=False,
                                         use_tc_tiling_on_sc=False),
    scratch_types=(
        [pltpu.VMEM((PER_W,), jnp.int32)] * 2
        + [pltpu.VMEM((C, DW), jnp.int32)] * (2 * NB)
        + [pltpu.VMEM((PER_W,), jnp.float32)]
        + [pltpu.SemaphoreType.DMA] * (2 + 2 * NB)
    ),
)
def _edge_dot(x1, x2, ei, out, *scratch):
  _sc_kernel(x1, x2, ei, out, *scratch)


def _pack_body(x1_ref, x2_ref, o1_ref, o2_ref):
  for x_ref, o_ref in ((x1_ref, o1_ref), (x2_ref, o2_ref)):
    x = x_ref[...]
    lo = lax.bitcast_convert_type(
        x[:, :DW].astype(jnp.bfloat16), jnp.uint16).astype(jnp.uint32)
    hi = lax.bitcast_convert_type(
        x[:, DW:].astype(jnp.bfloat16), jnp.uint16).astype(jnp.uint32)
    o_ref[...] = lax.bitcast_convert_type(lo | (hi << 16), jnp.int32)


def _pack_tables(x1, x2):
  n = x1.shape[0]
  return pl.pallas_call(
      _pack_body,
      out_shape=(jax.ShapeDtypeStruct((n, DW), jnp.int32),
                 jax.ShapeDtypeStruct((n, DW), jnp.int32)),
  )(x1, x2)


def kernel(x_nt1, x_nt2, edge_label_index):
  x1p, x2p = _pack_tables(x_nt1, x_nt2)
  return _edge_dot(x1p, x2p, edge_label_index.astype(jnp.int32))

# --- scband reference (transcript-rebuilt; emitter-appended) ---
"""Pipeline reference for scband-lpsimple-classif-61649960567378 (READ-ONLY COPY).

The authoritative reference and input builder live on the scoring server;
editing this copy changes nothing except your own understanding.
"""

import jax, jax.numpy as jnp
import numpy as np


def setup_inputs(seed: int = 0) -> dict:
    key = jax.random.key(seed)
    k1, k2, k3 = jax.random.split(key, 3)
    x_nt1 = jax.random.normal(k1, (10000, 128), dtype=jnp.float32)
    x_nt2 = jax.random.normal(k2, (10000, 128), dtype=jnp.float32)
    edge_label_index = jax.random.randint(k3, (2, 320000), 0, 10000, dtype=jnp.int64 if jax.config.jax_enable_x64 else jnp.int32)
    return {"x_nt1": x_nt1, "x_nt2": x_nt2, "edge_label_index": edge_label_index}


def reference(x_nt1, x_nt2, edge_label_index):
    # Gather source/destination node features (embedding-style lookup)
    edge_feat_nt1 = jnp.take(x_nt1, edge_label_index[0], axis=0)
    edge_feat_nt2 = jnp.take(x_nt2, edge_label_index[1], axis=0)
    # Elementwise product + reduce over feature dim -> per-edge dot product score
    return (edge_feat_nt1 * edge_feat_nt2).sum(axis=-1)

if __name__ == "__main__":
    import jax
    _d = setup_inputs()
    print(jax.jit(kernel)(*tuple(_d.values())))

</pallas_src>

<mosaic_0001>
#map = affine_map<(d0, d1) -> (0, 0)>
#map1 = affine_map<(d0, d1) -> (0)>
module attributes {stable_mosaic.version = 14 : i64} {
  func.func @_edge_dot(%arg0: i32, %arg1: i32, %arg2: memref<10000x64xi32, #tpu.memory_space<hbm>>, %arg3: memref<10000x64xi32, #tpu.memory_space<hbm>>, %arg4: memref<2x320000xi32, #tpu.memory_space<hbm>>, %arg5: memref<320000xf32, #tpu.memory_space<hbm>>, %arg6: memref<10000xi32, #tpu.memory_space<vmem>>, %arg7: memref<10000xi32, #tpu.memory_space<vmem>>, %arg8: memref<80x64xi32, #tpu.memory_space<vmem>>, %arg9: memref<80x64xi32, #tpu.memory_space<vmem>>, %arg10: memref<80x64xi32, #tpu.memory_space<vmem>>, %arg11: memref<80x64xi32, #tpu.memory_space<vmem>>, %arg12: memref<10000xf32, #tpu.memory_space<vmem>>, %arg13: memref<!tpu.dma_semaphore, #tpu.memory_space<semaphore_mem>>, %arg14: memref<!tpu.dma_semaphore, #tpu.memory_space<semaphore_mem>>, %arg15: memref<!tpu.dma_semaphore, #tpu.memory_space<semaphore_mem>>, %arg16: memref<!tpu.dma_semaphore, #tpu.memory_space<semaphore_mem>>, %arg17: memref<!tpu.dma_semaphore, #tpu.memory_space<semaphore_mem>>, %arg18: memref<!tpu.dma_semaphore, #tpu.memory_space<semaphore_mem>>) attributes {dimension_semantics = [#tpu.dimension_semantics<core_parallel>, #tpu.dimension_semantics<subcore_parallel>], iteration_bounds = array<i64: 2, 16>, scalar_prefetch = 0 : i64, scratch_operands = 13 : i64, tpu.core_type = #tpu.core_type<sc_vector_subcore>, window_params = [{transform_indices = #map}, {transform_indices = #map}, {transform_indices = #map}, {transform_indices = #map1}]} {
    %mul3A = arith.constant 2 : i32
    %mul3A_0 = arith.muli %arg1, %mul3A : i32
    %add3A = arith.addi %mul3A_0, %arg0 : i32
    %mul3A_1 = arith.constant 10000 : i32
    %mul3A_2 = arith.muli %add3A, %mul3A_1 : i32
    %iota3A = tpu.iota {dimensions = array<i32: 0>} : vector<16xi32>
    %dma_start3A = arith.constant 0 : i32
    %dma_start3A_3 = tpu.memref_slice %arg4[%dma_start3A, %mul3A_2] : memref<2x320000xi32, #tpu.memory_space<hbm>> -> memref<1x10000xi32, #tpu.memory_space<hbm>>
    %dma_start3A_4 = tpu.memref_squeeze %dma_start3A_3 : memref<1x10000xi32, #tpu.memory_space<hbm>> -> memref<10000xi32, #tpu.memory_space<hbm>>
    %dma_start3A_5 = tpu.memref_slice %arg4[%dma_start3A, %mul3A_2] : memref<2x320000xi32, #tpu.memory_space<hbm>> -> memref<1x10000xi32, #tpu.memory_space<hbm>>
    %dma_start3A_6 = tpu.memref_squeeze %dma_start3A_5 : memref<1x10000xi32, #tpu.memory_space<hbm>> -> memref<10000xi32, #tpu.memory_space<hbm>>
    tpu.enqueue_dma source(%dma_start3A_6 : memref<10000xi32, #tpu.memory_space<hbm>>) target(%arg6 : memref<10000xi32, #tpu.memory_space<vmem>>) target_semaphore(%arg13 : memref<!tpu.dma_semaphore, #tpu.memory_space<semaphore_mem>>)
    %dma_start3A_7 = arith.constant 1 : i32
    %dma_start3A_8 = tpu.memref_slice %arg4[%dma_start3A_7, %mul3A_2] : memref<2x320000xi32, #tpu.memory_space<hbm>> -> memref<1x10000xi32, #tpu.memory_space<hbm>>
    %dma_start3A_9 = tpu.memref_squeeze %dma_start3A_8 : memref<1x10000xi32, #tpu.memory_space<hbm>> -> memref<10000xi32, #tpu.memory_space<hbm>>
    %dma_start3A_10 = tpu.memref_slice %arg4[%dma_start3A_7, %mul3A_2] : memref<2x320000xi32, #tpu.memory_space<hbm>> -> memref<1x10000xi32, #tpu.memory_space<hbm>>
    %dma_start3A_11 = tpu.memref_squeeze %dma_start3A_10 : memref<1x10000xi32, #tpu.memory_space<hbm>> -> memref<10000xi32, #tpu.memory_space<hbm>>
    tpu.enqueue_dma source(%dma_start3A_11 : memref<10000xi32, #tpu.memory_space<hbm>>) target(%arg7 : memref<10000xi32, #tpu.memory_space<vmem>>) target_semaphore(%arg14 : memref<!tpu.dma_semaphore, #tpu.memory_space<semaphore_mem>>)
    %dma_wait3A = arith.constant 0 : i32
    %dma_wait3A_12 = tpu.memref_slice %arg4[%dma_wait3A, %mul3A_2] : memref<2x320000xi32, #tpu.memory_space<hbm>> -> memref<1x10000xi32, #tpu.memory_space<hbm>>
    %dma_wait3A_13 = tpu.memref_squeeze %dma_wait3A_12 : memref<1x10000xi32, #tpu.memory_space<hbm>> -> memref<10000xi32, #tpu.memory_space<hbm>>
    %dma_wait3A_14 = tpu.memref_slice %arg4[%dma_wait3A, %mul3A_2] : memref<2x320000xi32, #tpu.memory_space<hbm>> -> memref<1x10000xi32, #tpu.memory_space<hbm>>
    %dma_wait3A_15 = tpu.memref_squeeze %dma_wait3A_14 : memref<1x10000xi32, #tpu.memory_space<hbm>> -> memref<10000xi32, #tpu.memory_space<hbm>>
    tpu.wait_dma2 semaphore(%arg13 : memref<!tpu.dma_semaphore, #tpu.memory_space<semaphore_mem>>) src(%dma_wait3A_15 : memref<10000xi32, #tpu.memory_space<hbm>>) dst(%arg6 : memref<10000xi32, #tpu.memory_space<vmem>>)
    %dma_wait3A_16 = arith.constant 1 : i32
    %dma_wait3A_17 = tpu.memref_slice %arg4[%dma_wait3A_16, %mul3A_2] : memref<2x320000xi32, #tpu.memory_space<hbm>> -> memref<1x10000xi32, #tpu.memory_space<hbm>>
    %dma_wait3A_18 = tpu.memref_squeeze %dma_wait3A_17 : memref<1x10000xi32, #tpu.memory_space<hbm>> -> memref<10000xi32, #tpu.memory_space<hbm>>
    %dma_wait3A_19 = tpu.memref_slice %arg4[%dma_wait3A_16, %mul3A_2] : memref<2x320000xi32, #tpu.memory_space<hbm>> -> memref<1x10000xi32, #tpu.memory_space<hbm>>
    %dma_wait3A_20 = tpu.memref_squeeze %dma_wait3A_19 : memref<1x10000xi32, #tpu.memory_space<hbm>> -> memref<10000xi32, #tpu.memory_space<hbm>>
    tpu.wait_dma2 semaphore(%arg14 : memref<!tpu.dma_semaphore, #tpu.memory_space<semaphore_mem>>) src(%dma_wait3A_20 : memref<10000xi32, #tpu.memory_space<hbm>>) dst(%arg7 : memref<10000xi32, #tpu.memory_space<vmem>>)
    %dma_start3A_21 = arith.constant 0 : i32
    %dma_start3A_22 = tpu.memref_slice %arg6[%dma_start3A_21] : memref<10000xi32, #tpu.memory_space<vmem>> -> memref<80xi32, #tpu.memory_space<vmem>>
    %dma_start3A_23 = arith.constant 0 : i32
    %dma_start3A_24 = arith.constant 0 : i32
    %dma_start3A_25 = tpu.memref_slice %arg2[%dma_start3A_23, %dma_start3A_24] : memref<10000x64xi32, #tpu.memory_space<hbm>> -> memref<10000x64xi32, #tpu.memory_space<hbm>>
    tpu.enqueue_indirect_dma source(%dma_start3A_25 : memref<10000x64xi32, #tpu.memory_space<hbm>>) target(%arg8 : memref<80x64xi32, #tpu.memory_space<vmem>>) offsets(%dma_start3A_22 : memref<80xi32, #tpu.memory_space<vmem>>) semaphore(%arg15 : memref<!tpu.dma_semaphore, #tpu.memory_space<semaphore_mem>>)
    %dma_start3A_26 = arith.constant 0 : i32
    %dma_start3A_27 = tpu.memref_slice %arg7[%dma_start3A_26] : memref<10000xi32, #tpu.memory_space<vmem>> -> memref<80xi32, #tpu.memory_space<vmem>>
    %dma_start3A_28 = arith.constant 0 : i32
    %dma_start3A_29 = arith.constant 0 : i32
    %dma_start3A_30 = tpu.memref_slice %arg3[%dma_start3A_28, %dma_start3A_29] : memref<10000x64xi32, #tpu.memory_space<hbm>> -> memref<10000x64xi32, #tpu.memory_space<hbm>>
    tpu.enqueue_indirect_dma source(%dma_start3A_30 : memref<10000x64xi32, #tpu.memory_space<hbm>>) target(%arg10 : memref<80x64xi32, #tpu.memory_space<vmem>>) offsets(%dma_start3A_27 : memref<80xi32, #tpu.memory_space<vmem>>) semaphore(%arg17 : memref<!tpu.dma_semaphore, #tpu.memory_space<semaphore_mem>>)
    %scan3A = arith.constant 0 : i32
    %scan3A_31 = arith.constant 0 : i32
    %scan3A_32 = arith.constant 62 : i32
    %scan3A_33 = arith.addi %scan3A_31, %scan3A_32 : i32
    %scan3A_34 = arith.constant 1 : i32
    scf.for %scan3A_52 = %scan3A_31 to %scan3A_33 step %scan3A_34  : i32 {
      %mul3A_53 = arith.constant 2 : i32
      %mul3A_54 = arith.muli %mul3A_53, %scan3A_52 : i32
      %add3A_55 = arith.constant 1 : i32
      %add3A_56 = arith.addi %mul3A_54, %add3A_55 : i32
      %mul3A_57 = arith.constant 80 : i32
      %mul3A_58 = arith.muli %add3A_56, %mul3A_57 : i32
      %dma_start3A_59 = tpu.memref_slice %arg6[%mul3A_58] : memref<10000xi32, #tpu.memory_space<vmem>> -> memref<80xi32, #tpu.memory_space<vmem>>
      %dma_start3A_60 = arith.constant 0 : i32
      %dma_start3A_61 = arith.constant 0 : i32
      %dma_start3A_62 = tpu.memref_slice %arg2[%dma_start3A_60, %dma_start3A_61] : memref<10000x64xi32, #tpu.memory_space<hbm>> -> memref<10000x64xi32, #tpu.memory_space<hbm>>
      tpu.enqueue_indirect_dma source(%dma_start3A_62 : memref<10000x64xi32, #tpu.memory_space<hbm>>) target(%arg9 : memref<80x64xi32, #tpu.memory_space<vmem>>) offsets(%dma_start3A_59 : memref<80xi32, #tpu.memory_space<vmem>>) semaphore(%arg16 : memref<!tpu.dma_semaphore, #tpu.memory_space<semaphore_mem>>)
      %mul3A_63 = arith.constant 80 : i32
      %mul3A_64 = arith.muli %add3A_56, %mul3A_63 : i32
      %dma_start3A_65 = tpu.memref_slice %arg7[%mul3A_64] : memref<10000xi32, #tpu.memory_space<vmem>> -> memref<80xi32, #tpu.memory_space<vmem>>
      %dma_start3A_66 = arith.constant 0 : i32
      %dma_start3A_67 = arith.constant 0 : i32
      %dma_start3A_68 = tpu.memref_slice %arg3[%dma_start3A_66, %dma_start3A_67] : memref<10000x64xi32, #tpu.memory_space<hbm>> -> memref<10000x64xi32, #tpu.memory_space<hbm>>
      tpu.enqueue_indirect_dma source(%dma_start3A_68 : memref<10000x64xi32, #tpu.memory_space<hbm>>) target(%arg11 : memref<80x64xi32, #tpu.memory_space<vmem>>) offsets(%dma_start3A_65 : memref<80xi32, #tpu.memory_space<vmem>>) semaphore(%arg18 : memref<!tpu.dma_semaphore, #tpu.memory_space<semaphore_mem>>)
      %mul3A_69 = arith.constant 80 : i32
      %mul3A_70 = arith.muli %mul3A_54, %mul3A_69 : i32
      %dma_wait3A_71 = tpu.memref_slice %arg6[%mul3A_70] : memref<10000xi32, #tpu.memory_space<vmem>> -> memref<80xi32, #tpu.memory_space<vmem>>
      %dma_wait3A_72 = arith.constant 0 : i32
      %dma_wait3A_73 = arith.constant 0 : i32
      %dma_wait3A_74 = tpu.memref_slice %arg2[%dma_wait3A_72, %dma_wait3A_73] : memref<10000x64xi32, #tpu.memory_space<hbm>> -> memref<10000x64xi32, #tpu.memory_space<hbm>>
      tpu.wait_indirect_dma semaphore(%arg15 : memref<!tpu.dma_semaphore, #tpu.memory_space<semaphore_mem>>) src(%dma_wait3A_74 : memref<10000x64xi32, #tpu.memory_space<hbm>>) dst(%arg8 : memref<80x64xi32, #tpu.memory_space<vmem>>)
      %mul3A_75 = arith.constant 80 : i32
      %mul3A_76 = arith.muli %mul3A_54, %mul3A_75 : i32
      %dma_wait3A_77 = tpu.memref_slice %arg7[%mul3A_76] : memref<10000xi32, #tpu.memory_space<vmem>> -> memref<80xi32, #tpu.memory_space<vmem>>
      %dma_wait3A_78 = arith.constant 0 : i32
      %dma_wait3A_79 = arith.constant 0 : i32
      %dma_wait3A_80 = tpu.memref_slice %arg3[%dma_wait3A_78, %dma_wait3A_79] : memref<10000x64xi32, #tpu.memory_space<hbm>> -> memref<10000x64xi32, #tpu.memory_space<hbm>>
      tpu.wait_indirect_dma semaphore(%arg17 : memref<!tpu.dma_semaphore, #tpu.memory_space<semaphore_mem>>) src(%dma_wait3A_80 : memref<10000x64xi32, #tpu.memory_space<hbm>>) dst(%arg10 : memref<80x64xi32, #tpu.memory_space<vmem>>)
      %scan3A_81 = arith.constant 0 : i32
      %scan3A_82 = arith.constant 0 : i32
      %scan3A_83 = arith.constant 5 : i32
      %scan3A_84 = arith.addi %scan3A_82, %scan3A_83 : i32
      %scan3A_85 = arith.constant 1 : i32
      scf.for %scan3A_123 = %scan3A_82 to %scan3A_84 step %scan3A_85  : i32 {
        %mul3A_124 = arith.constant 16 : i32
        %mul3A_125 = arith.muli %scan3A_123, %mul3A_124 : i32
        %add3A_126 = vector.broadcast %mul3A_125 : i32 to vector<16xi32>
        %add3A_127 = arith.addi %add3A_126, %iota3A : vector<16xi32>
        %broadcast_in_dim3A = arith.constant 0.000000e+00 : f32
        %broadcast_in_dim3A_128 = vector.broadcast %broadcast_in_dim3A : f32 to vector<16xf32>
        %broadcast_in_dim3A_129 = arith.constant 0.000000e+00 : f32
        %broadcast_in_dim3A_130 = vector.broadcast %broadcast_in_dim3A_129 : f32 to vector<16xf32>
        %broadcast_in_dim3A_131 = arith.constant 0.000000e+00 : f32
        %broadcast_in_dim3A_132 = vector.broadcast %broadcast_in_dim3A_131 : f32 to vector<16xf32>
        %broadcast_in_dim3A_133 = arith.constant 0.000000e+00 : f32
        %broadcast_in_dim3A_134 = vector.broadcast %broadcast_in_dim3A_133 : f32 to vector<16xf32>
        %broadcast_in_dim3A_135 = arith.constant 0.000000e+00 : f32
        %broadcast_in_dim3A_136 = vector.broadcast %broadcast_in_dim3A_135 : f32 to vector<16xf32>
        %broadcast_in_dim3A_137 = arith.constant 0.000000e+00 : f32
        %broadcast_in_dim3A_138 = vector.broadcast %broadcast_in_dim3A_137 : f32 to vector<16xf32>
        %broadcast_in_dim3A_139 = arith.constant 0.000000e+00 : f32
        %broadcast_in_dim3A_140 = vector.broadcast %broadcast_in_dim3A_139 : f32 to vector<16xf32>
        %broadcast_in_dim3A_141 = arith.constant 0.000000e+00 : f32
        %broadcast_in_dim3A_142 = vector.broadcast %broadcast_in_dim3A_141 : f32 to vector<16xf32>
        %scan3A_143 = arith.constant 0 : i32
        %scan3A_144 = arith.constant 16 : i32
        %scan3A_145 = arith.addi %scan3A_143, %scan3A_144 : i32
        %scan3A_146 = arith.constant 4 : i32
        %scan3A_147:8 = scf.for %scan3A_162 = %scan3A_143 to %scan3A_145 step %scan3A_146 iter_args(%scan3A_163 = %broadcast_in_dim3A_128, %scan3A_164 = %broadcast_in_dim3A_130, %scan3A_165 = %broadcast_in_dim3A_132, %scan3A_166 = %broadcast_in_dim3A_134, %scan3A_167 = %broadcast_in_dim3A_136, %scan3A_168 = %broadcast_in_dim3A_138, %scan3A_169 = %broadcast_in_dim3A_140, %scan3A_170 = %broadcast_in_dim3A_142) -> (vector<16xf32>, vector<16xf32>, vector<16xf32>, vector<16xf32>, vector<16xf32>, vector<16xf32>, vector<16xf32>, vector<16xf32>)  : i32 {
          %add3A_171 = vector.broadcast %scan3A_162 : i32 to vector<16xi32>
          %add3A_172 = arith.addi %iota3A, %add3A_171 : vector<16xi32>
          %and3A = arith.constant 15 : i32
          %and3A_173 = vector.broadcast %and3A : i32 to vector<16xi32>
          %and3A_174 = arith.andi %add3A_172, %and3A_173 : vector<16xi32>
          %add3A_175 = arith.constant 0 : i32
          %add3A_176 = vector.broadcast %add3A_175 : i32 to vector<16xi32>
          %add3A_177 = arith.addi %and3A_174, %add3A_176 : vector<16xi32>
          %gather3A = tpu.vector_load_idx %arg8[%add3A_127, %add3A_177] : memref<80x64xi32, #tpu.memory_space<vmem>>[vector<16xi32>, vector<16xi32>], vector<16xi32>,
          %gather3A_178 = tpu.vector_load_idx %arg10[%add3A_127, %add3A_177] : memref<80x64xi32, #tpu.memory_space<vmem>>[vector<16xi32>, vector<16xi32>], vector<16xi32>,
          %bitcast3A = vector.bitcast %gather3A : vector<16xi32> to vector<32xbf16>
          %bitcast3A_179 = vector.bitcast %gather3A_178 : vector<16xi32> to vector<32xbf16>
          %mul3A_180 = arith.mulf %bitcast3A, %bitcast3A_179 : vector<32xbf16>
          %unpack3A = tpu.unpack_subelements %mul3A_180, 0 {pack_format = #tpu.pack_format<interleaved>} : vector<32xbf16> -> vector<16xf32>
          %unpack3A_181 = tpu.unpack_subelements %mul3A_180, 1 {pack_format = #tpu.pack_format<interleaved>} : vector<32xbf16> -> vector<16xf32>
          %add3A_182 = arith.addf %scan3A_163, %unpack3A : vector<16xf32>
          %add3A_183 = arith.addf %scan3A_164, %unpack3A_181 : vector<16xf32>
          %add3A_184 = arith.constant 16 : i32
          %add3A_185 = vector.broadcast %add3A_184 : i32 to vector<16xi32>
          %add3A_186 = arith.addi %and3A_174, %add3A_185 : vector<16xi32>
          %gather3A_187 = tpu.vector_load_idx %arg8[%add3A_127, %add3A_186] : memref<80x64xi32, #tpu.memory_space<vmem>>[vector<16xi32>, vector<16xi32>], vector<16xi32>,
          %gather3A_188 = tpu.vector_load_idx %arg10[%add3A_127, %add3A_186] : memref<80x64xi32, #tpu.memory_space<vmem>>[vector<16xi32>, vector<16xi32>], vector<16xi32>,
          %bitcast3A_189 = vector.bitcast %gather3A_187 : vector<16xi32> to vector<32xbf16>
          %bitcast3A_190 = vector.bitcast %gather3A_188 : vector<16xi32> to vector<32xbf16>
          %mul3A_191 = arith.mulf %bitcast3A_189, %bitcast3A_190 : vector<32xbf16>
          %unpack3A_192 = tpu.unpack_subelements %mul3A_191, 0 {pack_format = #tpu.pack_format<interleaved>} : vector<32xbf16> -> vector<16xf32>
          %unpack3A_193 = tpu.unpack_subelements %mul3A_191, 1 {pack_format = #tpu.pack_format<interleaved>} : vector<32xbf16> -> vector<16xf32>
          %add3A_194 = arith.addf %scan3A_165, %unpack3A_192 : vector<16xf32>
          %add3A_195 = arith.addf %scan3A_166, %unpack3A_193 : vector<16xf32>
          %add3A_196 = arith.constant 32 : i32
          %add3A_197 = vector.broadcast %add3A_196 : i32 to vector<16xi32>
          %add3A_198 = arith.addi %and3A_174, %add3A_197 : vector<16xi32>
          %gather3A_199 = tpu.vector_load_idx %arg8[%add3A_127, %add3A_198] : memref<80x64xi32, #tpu.memory_space<vmem>>[vector<16xi32>, vector<16xi32>], vector<16xi32>,
          %gather3A_200 = tpu.vector_load_idx %arg10[%add3A_127, %add3A_198] : memref<80x64xi32, #tpu.memory_space<vmem>>[vector<16xi32>, vector<16xi32>], vector<16xi32>,
          %bitcast3A_201 = vector.bitcast %gather3A_199 : vector<16xi32> to vector<32xbf16>
          %bitcast3A_202 = vector.bitcast %gather3A_200 : vector<16xi32> to vector<32xbf16>
          %mul3A_203 = arith.mulf %bitcast3A_201, %bitcast3A_202 : vector<32xbf16>
          %unpack3A_204 = tpu.unpack_subelements %mul3A_203, 0 {pack_format = #tpu.pack_format<interleaved>} : vector<32xbf16> -> vector<16xf32>
          %unpack3A_205 = tpu.unpack_subelements %mul3A_203, 1 {pack_format = #tpu.pack_format<interleaved>} : vector<32xbf16> -> vector<16xf32>
          %add3A_206 = arith.addf %scan3A_167, %unpack3A_204 : vector<16xf32>
          %add3A_207 = arith.addf %scan3A_168, %unpack3A_205 : vector<16xf32>
          %add3A_208 = arith.constant 48 : i32
          %add3A_209 = vector.broadcast %add3A_208 : i32 to vector<16xi32>
          %add3A_210 = arith.addi %and3A_174, %add3A_209 : vector<16xi32>
          %gather3A_211 = tpu.vector_load_idx %arg8[%add3A_127, %add3A_210] : memref<80x64xi32, #tpu.memory_space<vmem>>[vector<16xi32>, vector<16xi32>], vector<16xi32>,
          %gather3A_212 = tpu.vector_load_idx %arg10[%add3A_127, %add3A_210] : memref<80x64xi32, #tpu.memory_space<vmem>>[vector<16xi32>, vector<16xi32>], vector<16xi32>,
          %bitcast3A_213 = vector.bitcast %gather3A_211 : vector<16xi32> to vector<32xbf16>
          %bitcast3A_214 = vector.bitcast %gather3A_212 : vector<16xi32> to vector<32xbf16>
          %mul3A_215 = arith.mulf %bitcast3A_213, %bitcast3A_214 : vector<32xbf16>
          %unpack3A_216 = tpu.unpack_subelements %mul3A_215, 0 {pack_format = #tpu.pack_format<interleaved>} : vector<32xbf16> -> vector<16xf32>
          %unpack3A_217 = tpu.unpack_subelements %mul3A_215, 1 {pack_format = #tpu.pack_format<interleaved>} : vector<32xbf16> -> vector<16xf32>
          %add3A_218 = arith.addf %scan3A_169, %unpack3A_216 : vector<16xf32>
          %add3A_219 = arith.addf %scan3A_170, %unpack3A_217 : vector<16xf32>
          %scan3A_220 = arith.constant 1 : i32
          %scan3A_221 = arith.addi %scan3A_162, %scan3A_220 : i32
          %add3A_222 = vector.broadcast %scan3A_221 : i32 to vector<16xi32>
          %add3A_223 = arith.addi %iota3A, %add3A_222 : vector<16xi32>
          %and3A_224 = arith.constant 15 : i32
          %and3A_225 = vector.broadcast %and3A_224 : i32 to vector<16xi32>
          %and3A_226 = arith.andi %add3A_223, %and3A_225 : vector<16xi32>
          %add3A_227 = arith.constant 0 : i32
          %add3A_228 = vector.broadcast %add3A_227 : i32 to vector<16xi32>
          %add3A_229 = arith.addi %and3A_226, %add3A_228 : vector<16xi32>
          %gather3A_230 = tpu.vector_load_idx %arg8[%add3A_127, %add3A_229] : memref<80x64xi32, #tpu.memory_space<vmem>>[vector<16xi32>, vector<16xi32>], vector<16xi32>,
          %gather3A_231 = tpu.vector_load_idx %arg10[%add3A_127, %add3A_229] : memref<80x64xi32, #tpu.memory_space<vmem>>[vector<16xi32>, vector<16xi32>], vector<16xi32>,
          %bitcast3A_232 = vector.bitcast %gather3A_230 : vector<16xi32> to vector<32xbf16>
          %bitcast3A_233 = vector.bitcast %gather3A_231 : vector<16xi32> to vector<32xbf16>
          %mul3A_234 = arith.mulf %bitcast3A_232, %bitcast3A_233 : vector<32xbf16>
          %unpack3A_235 = tpu.unpack_subelements %mul3A_234, 0 {pack_format = #tpu.pack_format<interleaved>} : vector<32xbf16> -> vector<16xf32>
          %unpack3A_236 = tpu.unpack_subelements %mul3A_234, 1 {pack_format = #tpu.pack_format<interleaved>} : vector<32xbf16> -> vector<16xf32>
          %add3A_237 = arith.addf %add3A_182, %unpack3A_235 : vector<16xf32>
          %add3A_238 = arith.addf %add3A_183, %unpack3A_236 : vector<16xf32>
          %add3A_239 = arith.constant 16 : i32
          %add3A_240 = vector.broadcast %add3A_239 : i32 to vector<16xi32>
          %add3A_241 = arith.addi %and3A_226, %add3A_240 : vector<16xi32>
          %gather3A_242 = tpu.vector_load_idx %arg8[%add3A_127, %add3A_241] : memref<80x64xi32, #tpu.memory_space<vmem>>[vector<16xi32>, vector<16xi32>], vector<16xi32>,
          %gather3A_243 = tpu.vector_load_idx %arg10[%add3A_127, %add3A_241] : memref<80x64xi32, #tpu.memory_space<vmem>>[vector<16xi32>, vector<16xi32>], vector<16xi32>,
          %bitcast3A_244 = vector.bitcast %gather3A_242 : vector<16xi32> to vector<32xbf16>
          %bitcast3A_245 = vector.bitcast %gather3A_243 : vector<16xi32> to vector<32xbf16>
          %mul3A_246 = arith.mulf %bitcast3A_244, %bitcast3A_245 : vector<32xbf16>
          %unpack3A_247 = tpu.unpack_subelements %mul3A_246, 0 {pack_format = #tpu.pack_format<interleaved>} : vector<32xbf16> -> vector<16xf32>
          %unpack3A_248 = tpu.unpack_subelements %mul3A_246, 1 {pack_format = #tpu.pack_format<interleaved>} : vector<32xbf16> -> vector<16xf32>
          %add3A_249 = arith.addf %add3A_194, %unpack3A_247 : vector<16xf32>
          %add3A_250 = arith.addf %add3A_195, %unpack3A_248 : vector<16xf32>
          %add3A_251 = arith.constant 32 : i32
          %add3A_252 = vector.broadcast %add3A_251 : i32 to vector<16xi32>
          %add3A_253 = arith.addi %and3A_226, %add3A_252 : vector<16xi32>
          %gather3A_254 = tpu.vector_load_idx %arg8[%add3A_127, %add3A_253] : memref<80x64xi32, #tpu.memory_space<vmem>>[vector<16xi32>, vector<16xi32>], vector<16xi32>,
          %gather3A_255 = tpu.vector_load_idx %arg10[%add3A_127, %add3A_253] : memref<80x64xi32, #tpu.memory_space<vmem>>[vector<16xi32>, vector<16xi32>], vector<16xi32>,
          %bitcast3A_256 = vector.bitcast %gather3A_254 : vector<16xi32> to vector<32xbf16>
          %bitcast3A_257 = vector.bitcast %gather3A_255 : vector<16xi32> to vector<32xbf16>
          %mul3A_258 = arith.mulf %bitcast3A_256, %bitcast3A_257 : vector<32xbf16>
          %unpack3A_259 = tpu.unpack_subelements %mul3A_258, 0 {pack_format = #tpu.pack_format<interleaved>} : vector<32xbf16> -> vector<16xf32>
          %unpack3A_260 = tpu.unpack_subelements %mul3A_258, 1 {pack_format = #tpu.pack_format<interleaved>} : vector<32xbf16> -> vector<16xf32>
          %add3A_261 = arith.addf %add3A_206, %unpack3A_259 : vector<16xf32>
          %add3A_262 = arith.addf %add3A_207, %unpack3A_260 : vector<16xf32>
          %add3A_263 = arith.constant 48 : i32
          %add3A_264 = vector.broadcast %add3A_263 : i32 to vector<16xi32>
          %add3A_265 = arith.addi %and3A_226, %add3A_264 : vector<16xi32>
          %gather3A_266 = tpu.vector_load_idx %arg8[%add3A_127, %add3A_265] : memref<80x64xi32, #tpu.memory_space<vmem>>[vector<16xi32>, vector<16xi32>], vector<16xi32>,
          %gather3A_267 = tpu.vector_load_idx %arg10[%add3A_127, %add3A_265] : memref<80x64xi32, #tpu.memory_space<vmem>>[vector<16xi32>, vector<16xi32>], vector<16xi32>,
          %bitcast3A_268 = vector.bitcast %gather3A_266 : vector<16xi32> to vector<32xbf16>
          %bitcast3A_269 = vector.bitcast %gather3A_267 : vector<16xi32> to vector<32xbf16>
          %mul3A_270 = arith.mulf %bitcast3A_268, %bitcast3A_269 : vector<32xbf16>
          %unpack3A_271 = tpu.unpack_subelements %mul3A_270, 0 {pack_format = #tpu.pack_format<interleaved>} : vector<32xbf16> -> vector<16xf32>
          %unpack3A_272 = tpu.unpack_subelements %mul3A_270, 1 {pack_format = #tpu.pack_format<interleaved>} : vector<32xbf16> -> vector<16xf32>
          %add3A_273 = arith.addf %add3A_218, %unpack3A_271 : vector<16xf32>
          %add3A_274 = arith.addf %add3A_219, %unpack3A_272 : vector<16xf32>
          %scan3A_275 = arith.constant 2 : i32
          %scan3A_276 = arith.addi %scan3A_162, %scan3A_275 : i32
          %add3A_277 = vector.broadcast %scan3A_276 : i32 to vector<16xi32>
          %add3A_278 = arith.addi %iota3A, %add3A_277 : vector<16xi32>
          %and3A_279 = arith.constant 15 : i32
          %and3A_280 = vector.broadcast %and3A_279 : i32 to vector<16xi32>
          %and3A_281 = arith.andi %add3A_278, %and3A_280 : vector<16xi32>
          %add3A_282 = arith.constant 0 : i32
          %add3A_283 = vector.broadcast %add3A_282 : i32 to vector<16xi32>
          %add3A_284 = arith.addi %and3A_281, %add3A_283 : vector<16xi32>
          %gather3A_285 = tpu.vector_load_idx %arg8[%add3A_127, %add3A_284] : memref<80x64xi32, #tpu.memory_space<vmem>>[vector<16xi32>, vector<16xi32>], vector<16xi32>,
          %gather3A_286 = tpu.vector_load_idx %arg10[%add3A_127, %add3A_284] : memref<80x64xi32, #tpu.memory_space<vmem>>[vector<16xi32>, vector<16xi32>], vector<16xi32>,
          %bitcast3A_287 = vector.bitcast %gather3A_285 : vector<16xi32> to vector<32xbf16>
          %bitcast3A_288 = vector.bitcast %gather3A_286 : vector<16xi32> to vector<32xbf16>
          %mul3A_289 = arith.mulf %bitcast3A_287, %bitcast3A_288 : vector<32xbf16>
          %unpack3A_290 = tpu.unpack_subelements %mul3A_289, 0 {pack_format = #tpu.pack_format<interleaved>} : vector<32xbf16> -> vector<16xf32>
          %unpack3A_291 = tpu.unpack_subelements %mul3A_289, 1 {pack_format = #tpu.pack_format<interleaved>} : vector<32xbf16> -> vector<16xf32>
          %add3A_292 = arith.addf %add3A_237, %unpack3A_290 : vector<16xf32>
          %add3A_293 = arith.addf %add3A_238, %unpack3A_291 : vector<16xf32>
          %add3A_294 = arith.constant 16 : i32
          %add3A_295 = vector.broadcast %add3A_294 : i32 to vector<16xi32>
          %add3A_296 = arith.addi %and3A_281, %add3A_295 : vector<16xi32>
          %gather3A_297 = tpu.vector_load_idx %arg8[%add3A_127, %add3A_296] : memref<80x64xi32, #tpu.memory_space<vmem>>[vector<16xi32>, vector<16xi32>], vector<16xi32>,
          %gather3A_298 = tpu.vector_load_idx %arg10[%add3A_127, %add3A_296] : memref<80x64xi32, #tpu.memory_space<vmem>>[vector<16xi32>, vector<16xi32>], vector<16xi32>,
          %bitcast3A_299 = vector.bitcast %gather3A_297 : vector<16xi32> to vector<32xbf16>
          %bitcast3A_300 = vector.bitcast %gather3A_298 : vector<16xi32> to vector<32xbf16>
          %mul3A_301 = arith.mulf %bitcast3A_299, %bitcast3A_300 : vector<32xbf16>
          %unpack3A_302 = tpu.unpack_subelements %mul3A_301, 0 {pack_format = #tpu.pack_format<interleaved>} : vector<32xbf16> -> vector<16xf32>
          %unpack3A_303 = tpu.unpack_subelements %mul3A_301, 1 {pack_format = #tpu.pack_format<interleaved>} : vector<32xbf16> -> vector<16xf32>
          %add3A_304 = arith.addf %add3A_249, %unpack3A_302 : vector<16xf32>
          %add3A_305 = arith.addf %add3A_250, %unpack3A_303 : vector<16xf32>
          %add3A_306 = arith.constant 32 : i32
          %add3A_307 = vector.broadcast %add3A_306 : i32 to vector<16xi32>
          %add3A_308 = arith.addi %and3A_281, %add3A_307 : vector<16xi32>
          %gather3A_309 = tpu.vector_load_idx %arg8[%add3A_127, %add3A_308] : memref<80x64xi32, #tpu.memory_space<vmem>>[vector<16xi32>, vector<16xi32>], vector<16xi32>,
          %gather3A_310 = tpu.vector_load_idx %arg10[%add3A_127, %add3A_308] : memref<80x64xi32, #tpu.memory_space<vmem>>[vector<16xi32>, vector<16xi32>], vector<16xi32>,
          %bitcast3A_311 = vector.bitcast %gather3A_309 : vector<16xi32> to vector<32xbf16>
          %bitcast3A_312 = vector.bitcast %gather3A_310 : vector<16xi32> to vector<32xbf16>
          %mul3A_313 = arith.mulf %bitcast3A_311, %bitcast3A_312 : vector<32xbf16>
          %unpack3A_314 = tpu.unpack_subelements %mul3A_313, 0 {pack_format = #tpu.pack_format<interleaved>} : vector<32xbf16> -> vector<16xf32>
          %unpack3A_315 = tpu.unpack_subelements %mul3A_313, 1 {pack_format = #tpu.pack_format<interleaved>} : vector<32xbf16> -> vector<16xf32>
          %add3A_316 = arith.addf %add3A_261, %unpack3A_314 : vector<16xf32>
          %add3A_317 = arith.addf %add3A_262, %unpack3A_315 : vector<16xf32>
          %add3A_318 = arith.constant 48 : i32
          %add3A_319 = vector.broadcast %add3A_318 : i32 to vector<16xi32>
          %add3A_320 = arith.addi %and3A_281, %add3A_319 : vector<16xi32>
          %gather3A_321 = tpu.vector_load_idx %arg8[%add3A_127, %add3A_320] : memref<80x64xi32, #tpu.memory_space<vmem>>[vector<16xi32>, vector<16xi32>], vector<16xi32>,
          %gather3A_322 = tpu.vector_load_idx %arg10[%add3A_127, %add3A_320] : memref<80x64xi32, #tpu.memory_space<vmem>>[vector<16xi32>, vector<16xi32>], vector<16xi32>,
          %bitcast3A_323 = vector.bitcast %gather3A_321 : vector<16xi32> to vector<32xbf16>
          %bitcast3A_324 = vector.bitcast %gather3A_322 : vector<16xi32> to vector<32xbf16>
          %mul3A_325 = arith.mulf %bitcast3A_323, %bitcast3A_324 : vector<32xbf16>
          %unpack3A_326 = tpu.unpack_subelements %mul3A_325, 0 {pack_format = #tpu.pack_format<interleaved>} : vector<32xbf16> -> vector<16xf32>
          %unpack3A_327 = tpu.unpack_subelements %mul3A_325, 1 {pack_format = #tpu.pack_format<interleaved>} : vector<32xbf16> -> vector<16xf32>
          %add3A_328 = arith.addf %add3A_273, %unpack3A_326 : vector<16xf32>
          %add3A_329 = arith.addf %add3A_274, %unpack3A_327 : vector<16xf32>
          %scan3A_330 = arith.constant 3 : i32
          %scan3A_331 = arith.addi %scan3A_162, %scan3A_330 : i32
          %add3A_332 = vector.broadcast %scan3A_331 : i32 to vector<16xi32>
          %add3A_333 = arith.addi %iota3A, %add3A_332 : vector<16xi32>
          %and3A_334 = arith.constant 15 : i32
          %and3A_335 = vector.broadcast %and3A_334 : i32 to vector<16xi32>
          %and3A_336 = arith.andi %add3A_333, %and3A_335 : vector<16xi32>
          %add3A_337 = arith.constant 0 : i32
          %add3A_338 = vector.broadcast %add3A_337 : i32 to vector<16xi32>
          %add3A_339 = arith.addi %and3A_336, %add3A_338 : vector<16xi32>
          %gather3A_340 = tpu.vector_load_idx %arg8[%add3A_127, %add3A_339] : memref<80x64xi32, #tpu.memory_space<vmem>>[vector<16xi32>, vector<16xi32>], vector<16xi32>,
          %gather3A_341 = tpu.vector_load_idx %arg10[%add3A_127, %add3A_339] : memref<80x64xi32, #tpu.memory_space<vmem>>[vector<16xi32>, vector<16xi32>], vector<16xi32>,
          %bitcast3A_342 = vector.bitcast %gather3A_340 : vector<16xi32> to vector<32xbf16>
          %bitcast3A_343 = vector.bitcast %gather3A_341 : vector<16xi32> to vector<32xbf16>
          %mul3A_344 = arith.mulf %bitcast3A_342, %bitcast3A_343 : vector<32xbf16>
          %unpack3A_345 = tpu.unpack_subelements %mul3A_344, 0 {pack_format = #tpu.pack_format<interleaved>} : vector<32xbf16> -> vector<16xf32>
          %unpack3A_346 = tpu.unpack_subelements %mul3A_344, 1 {pack_format = #tpu.pack_format<interleaved>} : vector<32xbf16> -> vector<16xf32>
          %add3A_347 = arith.addf %add3A_292, %unpack3A_345 : vector<16xf32>
          %add3A_348 = arith.addf %add3A_293, %unpack3A_346 : vector<16xf32>
          %add3A_349 = arith.constant 16 : i32
          %add3A_350 = vector.broadcast %add3A_349 : i32 to vector<16xi32>
          %add3A_351 = arith.addi %and3A_336, %add3A_350 : vector<16xi32>
          %gather3A_352 = tpu.vector_load_idx %arg8[%add3A_127, %add3A_351] : memref<80x64xi32, #tpu.memory_space<vmem>>[vector<16xi32>, vector<16xi32>], vector<16xi32>,
          %gather3A_353 = tpu.vector_load_idx %arg10[%add3A_127, %add3A_351] : memref<80x64xi32, #tpu.memory_space<vmem>>[vector<16xi32>, vector<16xi32>], vector<16xi32>,
          %bitcast3A_354 = vector.bitcast %gather3A_352 : vector<16xi32> to vector<32xbf16>
          %bitcast3A_355 = vector.bitcast %gather3A_353 : vector<16xi32> to vector<32xbf16>
          %mul3A_356 = arith.mulf %bitcast3A_354, %bitcast3A_355 : vector<32xbf16>
          %unpack3A_357 = tpu.unpack_subelements %mul3A_356, 0 {pack_format = #tpu.pack_format<interleaved>} : vector<32xbf16> -> vector<16xf32>
          %unpack3A_358 = tpu.unpack_subelements %mul3A_356, 1 {pack_format = #tpu.pack_format<interleaved>} : vector<32xbf16> -> vector<16xf32>
          %add3A_359 = arith.addf %add3A_304, %unpack3A_357 : vector<16xf32>
          %add3A_360 = arith.addf %add3A_305, %unpack3A_358 : vector<16xf32>
          %add3A_361 = arith.constant 32 : i32
          %add3A_362 = vector.broadcast %add3A_361 : i32 to vector<16xi32>
          %add3A_363 = arith.addi %and3A_336, %add3A_362 : vector<16xi32>
          %gather3A_364 = tpu.vector_load_idx %arg8[%add3A_127, %add3A_363] : memref<80x64xi32, #tpu.memory_space<vmem>>[vector<16xi32>, vector<16xi32>], vector<16xi32>,
          %gather3A_365 = tpu.vector_load_idx %arg10[%add3A_127, %add3A_363] : memref<80x64xi32, #tpu.memory_space<vmem>>[vector<16xi32>, vector<16xi32>], vector<16xi32>,
          %bitcast3A_366 = vector.bitcast %gather3A_364 : vector<16xi32> to vector<32xbf16>
          %bitcast3A_367 = vector.bitcast %gather3A_365 : vector<16xi32> to vector<32xbf16>
          %mul3A_368 = arith.mulf %bitcast3A_366, %bitcast3A_367 : vector<32xbf16>
          %unpack3A_369 = tpu.unpack_subelements %mul3A_368, 0 {pack_format = #tpu.pack_format<interleaved>} : vector<32xbf16> -> vector<16xf32>
          %unpack3A_370 = tpu.unpack_subelements %mul3A_368, 1 {pack_format = #tpu.pack_format<interleaved>} : vector<32xbf16> -> vector<16xf32>
          %add3A_371 = arith.addf %add3A_316, %unpack3A_369 : vector<16xf32>
          %add3A_372 = arith.addf %add3A_317, %unpack3A_370 : vector<16xf32>
          %add3A_373 = arith.constant 48 : i32
          %add3A_374 = vector.broadcast %add3A_373 : i32 to vector<16xi32>
          %add3A_375 = arith.addi %and3A_336, %add3A_374 : vector<16xi32>
          %gather3A_376 = tpu.vector_load_idx %arg8[%add3A_127, %add3A_375] : memref<80x64xi32, #tpu.memory_space<vmem>>[vector<16xi32>, vector<16xi32>], vector<16xi32>,
          %gather3A_377 = tpu.vector_load_idx %arg10[%add3A_127, %add3A_375] : memref<80x64xi32, #tpu.memory_space<vmem>>[vector<16xi32>, vector<16xi32>], vector<16xi32>,
          %bitcast3A_378 = vector.bitcast %gather3A_376 : vector<16xi32> to vector<32xbf16>
          %bitcast3A_379 = vector.bitcast %gather3A_377 : vector<16xi32> to vector<32xbf16>
          %mul3A_380 = arith.mulf %bitcast3A_378, %bitcast3A_379 : vector<32xbf16>
          %unpack3A_381 = tpu.unpack_subelements %mul3A_380, 0 {pack_format = #tpu.pack_format<interleaved>} : vector<32xbf16> -> vector<16xf32>
          %unpack3A_382 = tpu.unpack_subelements %mul3A_380, 1 {pack_format = #tpu.pack_format<interleaved>} : vector<32xbf16> -> vector<16xf32>
          %add3A_383 = arith.addf %add3A_328, %unpack3A_381 : vector<16xf32>
          %add3A_384 = arith.addf %add3A_329, %unpack3A_382 : vector<16xf32>
          scf.yield %add3A_347, %add3A_348, %add3A_359, %add3A_360, %add3A_371, %add3A_372, %add3A_383, %add3A_384 : vector<16xf32>, vector<16xf32>, vector<16xf32>, vector<16xf32>, vector<16xf32>, vector<16xf32>, vector<16xf32>, vector<16xf32>
        }
        %scan3A_148 = arith.constant 16 : i32
        %add3A_149 = arith.addf %scan3A_147#0, %scan3A_147#1 : vector<16xf32>
        %add3A_150 = arith.addf %scan3A_147#2, %scan3A_147#3 : vector<16xf32>
        %add3A_151 = arith.addf %scan3A_147#4, %scan3A_147#5 : vector<16xf32>
        %add3A_152 = arith.addf %scan3A_147#6, %scan3A_147#7 : vector<16xf32>
        %add3A_153 = arith.addf %add3A_149, %add3A_150 : vector<16xf32>
        %add3A_154 = arith.addf %add3A_151, %add3A_152 : vector<16xf32>
        %add3A_155 = arith.addf %add3A_153, %add3A_154 : vector<16xf32>
        %mul3A_156 = arith.constant 80 : i32
        %mul3A_157 = arith.muli %mul3A_54, %mul3A_156 : i32
        %mul3A_158 = arith.constant 16 : i32
        %mul3A_159 = arith.muli %scan3A_123, %mul3A_158 : i32
        %add3A_160 = arith.addi %mul3A_157, %mul3A_159 : i32
        %swap3A = arith.index_cast %add3A_160 : i32 to index
        %swap3A_161 = tpu.vector_load %arg12[%swap3A] {strides = array<i32>} : memref<10000xf32, #tpu.memory_space<vmem>>, vector<16xf32>,
        tpu.vector_store %arg12[%swap3A], %add3A_155 {strides = array<i32>} : memref<10000xf32, #tpu.memory_space<vmem>>, vector<16xf32>,
      }
      %scan3A_86 = arith.constant 5 : i32
      %add3A_87 = arith.constant 2 : i32
      %add3A_88 = arith.addi %mul3A_54, %add3A_87 : i32
      %mul3A_89 = arith.constant 80 : i32
      %mul3A_90 = arith.muli %add3A_88, %mul3A_89 : i32
      %dma_start3A_91 = tpu.memref_slice %arg6[%mul3A_90] : memref<10000xi32, #tpu.memory_space<vmem>> -> memref<80xi32, #tpu.memory_space<vmem>>
      %dma_start3A_92 = arith.constant 0 : i32
      %dma_start3A_93 = arith.constant 0 : i32
      %dma_start3A_94 = tpu.memref_slice %arg2[%dma_start3A_92, %dma_start3A_93] : memref<10000x64xi32, #tpu.memory_space<hbm>> -> memref<10000x64xi32, #tpu.memory_space<hbm>>
      tpu.enqueue_indirect_dma source(%dma_start3A_94 : memref<10000x64xi32, #tpu.memory_space<hbm>>) target(%arg8 : memref<80x64xi32, #tpu.memory_space<vmem>>) offsets(%dma_start3A_91 : memref<80xi32, #tpu.memory_space<vmem>>) semaphore(%arg15 : memref<!tpu.dma_semaphore, #tpu.memory_space<semaphore_mem>>)
      %mul3A_95 = arith.constant 80 : i32
      %mul3A_96 = arith.muli %add3A_88, %mul3A_95 : i32
      %dma_start3A_97 = tpu.memref_slice %arg7[%mul3A_96] : memref<10000xi32, #tpu.memory_space<vmem>> -> memref<80xi32, #tpu.memory_space<vmem>>
      %dma_start3A_98 = arith.constant 0 : i32
      %dma_start3A_99 = arith.constant 0 : i32
      %dma_start3A_100 = tpu.memref_slice %arg3[%dma_start3A_98, %dma_start3A_99] : memref<10000x64xi32, #tpu.memory_space<hbm>> -> memref<10000x64xi32, #tpu.memory_space<hbm>>
      tpu.enqueue_indirect_dma source(%dma_start3A_100 : memref<10000x64xi32, #tpu.memory_space<hbm>>) target(%arg10 : memref<80x64xi32, #tpu.memory_space<vmem>>) offsets(%dma_start3A_97 : memref<80xi32, #tpu.memory_space<vmem>>) semaphore(%arg17 : memref<!tpu.dma_semaphore, #tpu.memory_space<semaphore_mem>>)
      %add3A_101 = arith.constant 1 : i32
      %add3A_102 = arith.addi %mul3A_54, %add3A_101 : i32
      %mul3A_103 = arith.constant 80 : i32
      %mul3A_104 = arith.muli %add3A_102, %mul3A_103 : i32
      %dma_wait3A_105 = tpu.memref_slice %arg6[%mul3A_104] : memref<10000xi32, #tpu.memory_space<vmem>> -> memref<80xi32, #tpu.memory_space<vmem>>
      %dma_wait3A_106 = arith.constant 0 : i32
      %dma_wait3A_107 = arith.constant 0 : i32
      %dma_wait3A_108 = tpu.memref_slice %arg2[%dma_wait3A_106, %dma_wait3A_107] : memref<10000x64xi32, #tpu.memory_space<hbm>> -> memref<10000x64xi32, #tpu.memory_space<hbm>>
      tpu.wait_indirect_dma semaphore(%arg16 : memref<!tpu.dma_semaphore, #tpu.memory_space<semaphore_mem>>) src(%dma_wait3A_108 : memref<10000x64xi32, #tpu.memory_space<hbm>>) dst(%arg9 : memref<80x64xi32, #tpu.memory_space<vmem>>)
      %mul3A_109 = arith.constant 80 : i32
      %mul3A_110 = arith.muli %add3A_102, %mul3A_109 : i32
      %dma_wait3A_111 = tpu.memref_slice %arg7[%mul3A_110] : memref<10000xi32, #tpu.memory_space<vmem>> -> memref<80xi32, #tpu.memory_space<vmem>>
      %dma_wait3A_112 = arith.constant 0 : i32
      %dma_wait3A_113 = arith.constant 0 : i32
      %dma_wait3A_114 = tpu.memref_slice %arg3[%dma_wait3A_112, %dma_wait3A_113] : memref<10000x64xi32, #tpu.memory_space<hbm>> -> memref<10000x64xi32, #tpu.memory_space<hbm>>
      tpu.wait_indirect_dma semaphore(%arg18 : memref<!tpu.dma_semaphore, #tpu.memory_space<semaphore_mem>>) src(%dma_wait3A_114 : memref<10000x64xi32, #tpu.memory_space<hbm>>) dst(%arg11 : memref<80x64xi32, #tpu.memory_space<vmem>>)
      %add3A_115 = arith.constant 1 : i32
      %add3A_116 = arith.addi %mul3A_54, %add3A_115 : i32
      %scan3A_117 = arith.constant 0 : i32
      %scan3A_118 = arith.constant 0 : i32
      %scan3A_119 = arith.constant 5 : i32
      %scan3A_120 = arith.addi %scan3A_118, %scan3A_119 : i32
      %scan3A_121 = arith.constant 1 : i32
      scf.for %scan3A_123 = %scan3A_118 to %scan3A_120 step %scan3A_121  : i32 {
        %mul3A_124 = arith.constant 16 : i32
        %mul3A_125 = arith.muli %scan3A_123, %mul3A_124 : i32
        %add3A_126 = vector.broadcast %mul3A_125 : i32 to vector<16xi32>
        %add3A_127 = arith.addi %add3A_126, %iota3A : vector<16xi32>
        %broadcast_in_dim3A = arith.constant 0.000000e+00 : f32
        %broadcast_in_dim3A_128 = vector.broadcast %broadcast_in_dim3A : f32 to vector<16xf32>
        %broadcast_in_dim3A_129 = arith.constant 0.000000e+00 : f32
        %broadcast_in_dim3A_130 = vector.broadcast %broadcast_in_dim3A_129 : f32 to vector<16xf32>
        %broadcast_in_dim3A_131 = arith.constant 0.000000e+00 : f32
        %broadcast_in_dim3A_132 = vector.broadcast %broadcast_in_dim3A_131 : f32 to vector<16xf32>
        %broadcast_in_dim3A_133 = arith.constant 0.000000e+00 : f32
        %broadcast_in_dim3A_134 = vector.broadcast %broadcast_in_dim3A_133 : f32 to vector<16xf32>
        %broadcast_in_dim3A_135 = arith.constant 0.000000e+00 : f32
        %broadcast_in_dim3A_136 = vector.broadcast %broadcast_in_dim3A_135 : f32 to vector<16xf32>
        %broadcast_in_dim3A_137 = arith.constant 0.000000e+00 : f32
        %broadcast_in_dim3A_138 = vector.broadcast %broadcast_in_dim3A_137 : f32 to vector<16xf32>
        %broadcast_in_dim3A_139 = arith.constant 0.000000e+00 : f32
        %broadcast_in_dim3A_140 = vector.broadcast %broadcast_in_dim3A_139 : f32 to vector<16xf32>
        %broadcast_in_dim3A_141 = arith.constant 0.000000e+00 : f32
        %broadcast_in_dim3A_142 = vector.broadcast %broadcast_in_dim3A_141 : f32 to vector<16xf32>
        %scan3A_143 = arith.constant 0 : i32
        %scan3A_144 = arith.constant 16 : i32
        %scan3A_145 = arith.addi %scan3A_143, %scan3A_144 : i32
        %scan3A_146 = arith.constant 4 : i32
        %scan3A_147:8 = scf.for %scan3A_162 = %scan3A_143 to %scan3A_145 step %scan3A_146 iter_args(%scan3A_163 = %broadcast_in_dim3A_128, %scan3A_164 = %broadcast_in_dim3A_130, %scan3A_165 = %broadcast_in_dim3A_132, %scan3A_166 = %broadcast_in_dim3A_134, %scan3A_167 = %broadcast_in_dim3A_136, %scan3A_168 = %broadcast_in_dim3A_138, %scan3A_169 = %broadcast_in_dim3A_140, %scan3A_170 = %broadcast_in_dim3A_142) -> (vector<16xf32>, vector<16xf32>, vector<16xf32>, vector<16xf32>, vector<16xf32>, vector<16xf32>, vector<16xf32>, vector<16xf32>)  : i32 {
          %add3A_171 = vector.broadcast %scan3A_162 : i32 to vector<16xi32>
          %add3A_172 = arith.addi %iota3A, %add3A_171 : vector<16xi32>
          %and3A = arith.constant 15 : i32
          %and3A_173 = vector.broadcast %and3A : i32 to vector<16xi32>
          %and3A_174 = arith.andi %add3A_172, %and3A_173 : vector<16xi32>
          %add3A_175 = arith.constant 0 : i32
          %add3A_176 = vector.broadcast %add3A_175 : i32 to vector<16xi32>
          %add3A_177 = arith.addi %and3A_174, %add3A_176 : vector<16xi32>
          %gather3A = tpu.vector_load_idx %arg9[%add3A_127, %add3A_177] : memref<80x64xi32, #tpu.memory_space<vmem>>[vector<16xi32>, vector<16xi32>], vector<16xi32>,
          %gather3A_178 = tpu.vector_load_idx %arg11[%add3A_127, %add3A_177] : memref<80x64xi32, #tpu.memory_space<vmem>>[vector<16xi32>, vector<16xi32>], vector<16xi32>,
          %bitcast3A = vector.bitcast %gather3A : vector<16xi32> to vector<32xbf16>
          %bitcast3A_179 = vector.bitcast %gather3A_178 : vector<16xi32> to vector<32xbf16>
          %mul3A_180 = arith.mulf %bitcast3A, %bitcast3A_179 : vector<32xbf16>
          %unpack3A = tpu.unpack_subelements %mul3A_180, 0 {pack_format = #tpu.pack_format<interleaved>} : vector<32xbf16> -> vector<16xf32>
          %unpack3A_181 = tpu.unpack_subelements %mul3A_180, 1 {pack_format = #tpu.pack_format<interleaved>} : vector<32xbf16> -> vector<16xf32>
          %add3A_182 = arith.addf %scan3A_163, %unpack3A : vector<16xf32>
          %add3A_183 = arith.addf %scan3A_164, %unpack3A_181 : vector<16xf32>
          %add3A_184 = arith.constant 16 : i32
          %add3A_185 = vector.broadcast %add3A_184 : i32 to vector<16xi32>
          %add3A_186 = arith.addi %and3A_174, %add3A_185 : vector<16xi32>
          %gather3A_187 = tpu.vector_load_idx %arg9[%add3A_127, %add3A_186] : memref<80x64xi32, #tpu.memory_space<vmem>>[vector<16xi32>, vector<16xi32>], vector<16xi32>,
          %gather3A_188 = tpu.vector_load_idx %arg11[%add3A_127, %add3A_186] : memref<80x64xi32, #tpu.memory_space<vmem>>[vector<16xi32>, vector<16xi32>], vector<16xi32>,
          %bitcast3A_189 = vector.bitcast %gather3A_187 : vector<16xi32> to vector<32xbf16>
          %bitcast3A_190 = vector.bitcast %gather3A_188 : vector<16xi32> to vector<32xbf16>
          %mul3A_191 = arith.mulf %bitcast3A_189, %bitcast3A_190 : vector<32xbf16>
          %unpack3A_192 = tpu.unpack_subelements %mul3A_191, 0 {pack_format = #tpu.pack_format<interleaved>} : vector<32xbf16> -> vector<16xf32>
          %unpack3A_193 = tpu.unpack_subelements %mul3A_191, 1 {pack_format = #tpu.pack_format<interleaved>} : vector<32xbf16> -> vector<16xf32>
          %add3A_194 = arith.addf %scan3A_165, %unpack3A_192 : vector<16xf32>
          %add3A_195 = arith.addf %scan3A_166, %unpack3A_193 : vector<16xf32>
          %add3A_196 = arith.constant 32 : i32
          %add3A_197 = vector.broadcast %add3A_196 : i32 to vector<16xi32>
          %add3A_198 = arith.addi %and3A_174, %add3A_197 : vector<16xi32>
          %gather3A_199 = tpu.vector_load_idx %arg9[%add3A_127, %add3A_198] : memref<80x64xi32, #tpu.memory_space<vmem>>[vector<16xi32>, vector<16xi32>], vector<16xi32>,
          %gather3A_200 = tpu.vector_load_idx %arg11[%add3A_127, %add3A_198] : memref<80x64xi32, #tpu.memory_space<vmem>>[vector<16xi32>, vector<16xi32>], vector<16xi32>,
          %bitcast3A_201 = vector.bitcast %gather3A_199 : vector<16xi32> to vector<32xbf16>
          %bitcast3A_202 = vector.bitcast %gather3A_200 : vector<16xi32> to vector<32xbf16>
          %mul3A_203 = arith.mulf %bitcast3A_201, %bitcast3A_202 : vector<32xbf16>
          %unpack3A_204 = tpu.unpack_subelements %mul3A_203, 0 {pack_format = #tpu.pack_format<interleaved>} : vector<32xbf16> -> vector<16xf32>
          %unpack3A_205 = tpu.unpack_subelements %mul3A_203, 1 {pack_format = #tpu.pack_format<interleaved>} : vector<32xbf16> -> vector<16xf32>
          %add3A_206 = arith.addf %scan3A_167, %unpack3A_204 : vector<16xf32>
          %add3A_207 = arith.addf %scan3A_168, %unpack3A_205 : vector<16xf32>
          %add3A_208 = arith.constant 48 : i32
          %add3A_209 = vector.broadcast %add3A_208 : i32 to vector<16xi32>
          %add3A_210 = arith.addi %and3A_174, %add3A_209 : vector<16xi32>
          %gather3A_211 = tpu.vector_load_idx %arg9[%add3A_127, %add3A_210] : memref<80x64xi32, #tpu.memory_space<vmem>>[vector<16xi32>, vector<16xi32>], vector<16xi32>,
          %gather3A_212 = tpu.vector_load_idx %arg11[%add3A_127, %add3A_210] : memref<80x64xi32, #tpu.memory_space<vmem>>[vector<16xi32>, vector<16xi32>], vector<16xi32>,
          %bitcast3A_213 = vector.bitcast %gather3A_211 : vector<16xi32> to vector<32xbf16>
          %bitcast3A_214 = vector.bitcast %gather3A_212 : vector<16xi32> to vector<32xbf16>
          %mul3A_215 = arith.mulf %bitcast3A_213, %bitcast3A_214 : vector<32xbf16>
          %unpack3A_216 = tpu.unpack_subelements %mul3A_215, 0 {pack_format = #tpu.pack_format<interleaved>} : vector<32xbf16> -> vector<16xf32>
          %unpack3A_217 = tpu.unpack_subelements %mul3A_215, 1 {pack_format = #tpu.pack_format<interleaved>} : vector<32xbf16> -> vector<16xf32>
          %add3A_218 = arith.addf %scan3A_169, %unpack3A_216 : vector<16xf32>
          %add3A_219 = arith.addf %scan3A_170, %unpack3A_217 : vector<16xf32>
          %scan3A_220 = arith.constant 1 : i32
          %scan3A_221 = arith.addi %scan3A_162, %scan3A_220 : i32
          %add3A_222 = vector.broadcast %scan3A_221 : i32 to vector<16xi32>
          %add3A_223 = arith.addi %iota3A, %add3A_222 : vector<16xi32>
          %and3A_224 = arith.constant 15 : i32
          %and3A_225 = vector.broadcast %and3A_224 : i32 to vector<16xi32>
          %and3A_226 = arith.andi %add3A_223, %and3A_225 : vector<16xi32>
          %add3A_227 = arith.constant 0 : i32
          %add3A_228 = vector.broadcast %add3A_227 : i32 to vector<16xi32>
          %add3A_229 = arith.addi %and3A_226, %add3A_228 : vector<16xi32>
          %gather3A_230 = tpu.vector_load_idx %arg9[%add3A_127, %add3A_229] : memref<80x64xi32, #tpu.memory_space<vmem>>[vector<16xi32>, vector<16xi32>], vector<16xi32>,
          %gather3A_231 = tpu.vector_load_idx %arg11[%add3A_127, %add3A_229] : memref<80x64xi32, #tpu.memory_space<vmem>>[vector<16xi32>, vector<16xi32>], vector<16xi32>,
          %bitcast3A_232 = vector.bitcast %gather3A_230 : vector<16xi32> to vector<32xbf16>
          %bitcast3A_233 = vector.bitcast %gather3A_231 : vector<16xi32> to vector<32xbf16>
          %mul3A_234 = arith.mulf %bitcast3A_232, %bitcast3A_233 : vector<32xbf16>
          %unpack3A_235 = tpu.unpack_subelements %mul3A_234, 0 {pack_format = #tpu.pack_format<interleaved>} : vector<32xbf16> -> vector<16xf32>
          %unpack3A_236 = tpu.unpack_subelements %mul3A_234, 1 {pack_format = #tpu.pack_format<interleaved>} : vector<32xbf16> -> vector<16xf32>
          %add3A_237 = arith.addf %add3A_182, %unpack3A_235 : vector<16xf32>
          %add3A_238 = arith.addf %add3A_183, %unpack3A_236 : vector<16xf32>
          %add3A_239 = arith.constant 16 : i32
          %add3A_240 = vector.broadcast %add3A_239 : i32 to vector<16xi32>
          %add3A_241 = arith.addi %and3A_226, %add3A_240 : vector<16xi32>
          %gather3A_242 = tpu.vector_load_idx %arg9[%add3A_127, %add3A_241] : memref<80x64xi32, #tpu.memory_space<vmem>>[vector<16xi32>, vector<16xi32>], vector<16xi32>,
          %gather3A_243 = tpu.vector_load_idx %arg11[%add3A_127, %add3A_241] : memref<80x64xi32, #tpu.memory_space<vmem>>[vector<16xi32>, vector<16xi32>], vector<16xi32>,
          %bitcast3A_244 = vector.bitcast %gather3A_242 : vector<16xi32> to vector<32xbf16>
          %bitcast3A_245 = vector.bitcast %gather3A_243 : vector<16xi32> to vector<32xbf16>
          %mul3A_246 = arith.mulf %bitcast3A_244, %bitcast3A_245 : vector<32xbf16>
          %unpack3A_247 = tpu.unpack_subelements %mul3A_246, 0 {pack_format = #tpu.pack_format<interleaved>} : vector<32xbf16> -> vector<16xf32>
          %unpack3A_248 = tpu.unpack_subelements %mul3A_246, 1 {pack_format = #tpu.pack_format<interleaved>} : vector<32xbf16> -> vector<16xf32>
          %add3A_249 = arith.addf %add3A_194, %unpack3A_247 : vector<16xf32>
          %add3A_250 = arith.addf %add3A_195, %unpack3A_248 : vector<16xf32>
          %add3A_251 = arith.constant 32 : i32
          %add3A_252 = vector.broadcast %add3A_251 : i32 to vector<16xi32>
          %add3A_253 = arith.addi %and3A_226, %add3A_252 : vector<16xi32>
          %gather3A_254 = tpu.vector_load_idx %arg9[%add3A_127, %add3A_253] : memref<80x64xi32, #tpu.memory_space<vmem>>[vector<16xi32>, vector<16xi32>], vector<16xi32>,
          %gather3A_255 = tpu.vector_load_idx %arg11[%add3A_127, %add3A_253] : memref<80x64xi32, #tpu.memory_space<vmem>>[vector<16xi32>, vector<16xi32>], vector<16xi32>,
          %bitcast3A_256 = vector.bitcast %gather3A_254 : vector<16xi32> to vector<32xbf16>
          %bitcast3A_257 = vector.bitcast %gather3A_255 : vector<16xi32> to vector<32xbf16>
          %mul3A_258 = arith.mulf %bitcast3A_256, %bitcast3A_257 : vector<32xbf16>
          %unpack3A_259 = tpu.unpack_subelements %mul3A_258, 0 {pack_format = #tpu.pack_format<interleaved>} : vector<32xbf16> -> vector<16xf32>
          %unpack3A_260 = tpu.unpack_subelements %mul3A_258, 1 {pack_format = #tpu.pack_format<interleaved>} : vector<32xbf16> -> vector<16xf32>
          %add3A_261 = arith.addf %add3A_206, %unpack3A_259 : vector<16xf32>
          %add3A_262 = arith.addf %add3A_207, %unpack3A_260 : vector<16xf32>
          %add3A_263 = arith.constant 48 : i32
          %add3A_264 = vector.broadcast %add3A_263 : i32 to vector<16xi32>
          %add3A_265 = arith.addi %and3A_226, %add3A_264 : vector<16xi32>
          %gather3A_266 = tpu.vector_load_idx %arg9[%add3A_127, %add3A_265] : memref<80x64xi32, #tpu.memory_space<vmem>>[vector<16xi32>, vector<16xi32>], vector<16xi32>,
          %gather3A_267 = tpu.vector_load_idx %arg11[%add3A_127, %add3A_265] : memref<80x64xi32, #tpu.memory_space<vmem>>[vector<16xi32>, vector<16xi32>], vector<16xi32>,
          %bitcast3A_268 = vector.bitcast %gather3A_266 : vector<16xi32> to vector<32xbf16>
          %bitcast3A_269 = vector.bitcast %gather3A_267 : vector<16xi32> to vector<32xbf16>
          %mul3A_270 = arith.mulf %bitcast3A_268, %bitcast3A_269 : vector<32xbf16>
          %unpack3A_271 = tpu.unpack_subelements %mul3A_270, 0 {pack_format = #tpu.pack_format<interleaved>} : vector<32xbf16> -> vector<16xf32>
          %unpack3A_272 = tpu.unpack_subelements %mul3A_270, 1 {pack_format = #tpu.pack_format<interleaved>} : vector<32xbf16> -> vector<16xf32>
          %add3A_273 = arith.addf %add3A_218, %unpack3A_271 : vector<16xf32>
          %add3A_274 = arith.addf %add3A_219, %unpack3A_272 : vector<16xf32>
          %scan3A_275 = arith.constant 2 : i32
          %scan3A_276 = arith.addi %scan3A_162, %scan3A_275 : i32
          %add3A_277 = vector.broadcast %scan3A_276 : i32 to vector<16xi32>
          %add3A_278 = arith.addi %iota3A, %add3A_277 : vector<16xi32>
          %and3A_279 = arith.constant 15 : i32
          %and3A_280 = vector.broadcast %and3A_279 : i32 to vector<16xi32>
          %and3A_281 = arith.andi %add3A_278, %and3A_280 : vector<16xi32>
          %add3A_282 = arith.constant 0 : i32
          %add3A_283 = vector.broadcast %add3A_282 : i32 to vector<16xi32>
          %add3A_284 = arith.addi %and3A_281, %add3A_283 : vector<16xi32>
          %gather3A_285 = tpu.vector_load_idx %arg9[%add3A_127, %add3A_284] : memref<80x64xi32, #tpu.memory_space<vmem>>[vector<16xi32>, vector<16xi32>], vector<16xi32>,
          %gather3A_286 = tpu.vector_load_idx %arg11[%add3A_127, %add3A_284] : memref<80x64xi32, #tpu.memory_space<vmem>>[vector<16xi32>, vector<16xi32>], vector<16xi32>,
          %bitcast3A_287 = vector.bitcast %gather3A_285 : vector<16xi32> to vector<32xbf16>
          %bitcast3A_288 = vector.bitcast %gather3A_286 : vector<16xi32> to vector<32xbf16>
          %mul3A_289 = arith.mulf %bitcast3A_287, %bitcast3A_288 : vector<32xbf16>
          %unpack3A_290 = tpu.unpack_subelements %mul3A_289, 0 {pack_format = #tpu.pack_format<interleaved>} : vector<32xbf16> -> vector<16xf32>
          %unpack3A_291 = tpu.unpack_subelements %mul3A_289, 1 {pack_format = #tpu.pack_format<interleaved>} : vector<32xbf16> -> vector<16xf32>
          %add3A_292 = arith.addf %add3A_237, %unpack3A_290 : vector<16xf32>
          %add3A_293 = arith.addf %add3A_238, %unpack3A_291 : vector<16xf32>
          %add3A_294 = arith.constant 16 : i32
          %add3A_295 = vector.broadcast %add3A_294 : i32 to vector<16xi32>
          %add3A_296 = arith.addi %and3A_281, %add3A_295 : vector<16xi32>
          %gather3A_297 = tpu.vector_load_idx %arg9[%add3A_127, %add3A_296] : memref<80x64xi32, #tpu.memory_space<vmem>>[vector<16xi32>, vector<16xi32>], vector<16xi32>,
          %gather3A_298 = tpu.vector_load_idx %arg11[%add3A_127, %add3A_296] : memref<80x64xi32, #tpu.memory_space<vmem>>[vector<16xi32>, vector<16xi32>], vector<16xi32>,
          %bitcast3A_299 = vector.bitcast %gather3A_297 : vector<16xi32> to vector<32xbf16>
          %bitcast3A_300 = vector.bitcast %gather3A_298 : vector<16xi32> to vector<32xbf16>
          %mul3A_301 = arith.mulf %bitcast3A_299, %bitcast3A_300 : vector<32xbf16>
          %unpack3A_302 = tpu.unpack_subelements %mul3A_301, 0 {pack_format = #tpu.pack_format<interleaved>} : vector<32xbf16> -> vector<16xf32>
          %unpack3A_303 = tpu.unpack_subelements %mul3A_301, 1 {pack_format = #tpu.pack_format<interleaved>} : vector<32xbf16> -> vector<16xf32>
          %add3A_304 = arith.addf %add3A_249, %unpack3A_302 : vector<16xf32>
          %add3A_305 = arith.addf %add3A_250, %unpack3A_303 : vector<16xf32>
          %add3A_306 = arith.constant 32 : i32
          %add3A_307 = vector.broadcast %add3A_306 : i32 to vector<16xi32>
          %add3A_308 = arith.addi %and3A_281, %add3A_307 : vector<16xi32>
          %gather3A_309 = tpu.vector_load_idx %arg9[%add3A_127, %add3A_308] : memref<80x64xi32, #tpu.memory_space<vmem>>[vector<16xi32>, vector<16xi32>], vector<16xi32>,
          %gather3A_310 = tpu.vector_load_idx %arg11[%add3A_127, %add3A_308] : memref<80x64xi32, #tpu.memory_space<vmem>>[vector<16xi32>, vector<16xi32>], vector<16xi32>,
          %bitcast3A_311 = vector.bitcast %gather3A_309 : vector<16xi32> to vector<32xbf16>
          %bitcast3A_312 = vector.bitcast %gather3A_310 : vector<16xi32> to vector<32xbf16>
          %mul3A_313 = arith.mulf %bitcast3A_311, %bitcast3A_312 : vector<32xbf16>
          %unpack3A_314 = tpu.unpack_subelements %mul3A_313, 0 {pack_format = #tpu.pack_format<interleaved>} : vector<32xbf16> -> vector<16xf32>
          %unpack3A_315 = tpu.unpack_subelements %mul3A_313, 1 {pack_format = #tpu.pack_format<interleaved>} : vector<32xbf16> -> vector<16xf32>
          %add3A_316 = arith.addf %add3A_261, %unpack3A_314 : vector<16xf32>
          %add3A_317 = arith.addf %add3A_262, %unpack3A_315 : vector<16xf32>
          %add3A_318 = arith.constant 48 : i32
          %add3A_319 = vector.broadcast %add3A_318 : i32 to vector<16xi32>
          %add3A_320 = arith.addi %and3A_281, %add3A_319 : vector<16xi32>
          %gather3A_321 = tpu.vector_load_idx %arg9[%add3A_127, %add3A_320] : memref<80x64xi32, #tpu.memory_space<vmem>>[vector<16xi32>, vector<16xi32>], vector<16xi32>,
          %gather3A_322 = tpu.vector_load_idx %arg11[%add3A_127, %add3A_320] : memref<80x64xi32, #tpu.memory_space<vmem>>[vector<16xi32>, vector<16xi32>], vector<16xi32>,
          %bitcast3A_323 = vector.bitcast %gather3A_321 : vector<16xi32> to vector<32xbf16>
          %bitcast3A_324 = vector.bitcast %gather3A_322 : vector<16xi32> to vector<32xbf16>
          %mul3A_325 = arith.mulf %bitcast3A_323, %bitcast3A_324 : vector<32xbf16>
          %unpack3A_326 = tpu.unpack_subelements %mul3A_325, 0 {pack_format = #tpu.pack_format<interleaved>} : vector<32xbf16> -> vector<16xf32>
          %unpack3A_327 = tpu.unpack_subelements %mul3A_325, 1 {pack_format = #tpu.pack_format<interleaved>} : vector<32xbf16> -> vector<16xf32>
          %add3A_328 = arith.addf %add3A_273, %unpack3A_326 : vector<16xf32>
          %add3A_329 = arith.addf %add3A_274, %unpack3A_327 : vector<16xf32>
          %scan3A_330 = arith.constant 3 : i32
          %scan3A_331 = arith.addi %scan3A_162, %scan3A_330 : i32
          %add3A_332 = vector.broadcast %scan3A_331 : i32 to vector<16xi32>
          %add3A_333 = arith.addi %iota3A, %add3A_332 : vector<16xi32>
          %and3A_334 = arith.constant 15 : i32
          %and3A_335 = vector.broadcast %and3A_334 : i32 to vector<16xi32>
          %and3A_336 = arith.andi %add3A_333, %and3A_335 : vector<16xi32>
          %add3A_337 = arith.constant 0 : i32
          %add3A_338 = vector.broadcast %add3A_337 : i32 to vector<16xi32>
          %add3A_339 = arith.addi %and3A_336, %add3A_338 : vector<16xi32>
          %gather3A_340 = tpu.vector_load_idx %arg9[%add3A_127, %add3A_339] : memref<80x64xi32, #tpu.memory_space<vmem>>[vector<16xi32>, vector<16xi32>], vector<16xi32>,
          %gather3A_341 = tpu.vector_load_idx %arg11[%add3A_127, %add3A_339] : memref<80x64xi32, #tpu.memory_space<vmem>>[vector<16xi32>, vector<16xi32>], vector<16xi32>,
          %bitcast3A_342 = vector.bitcast %gather3A_340 : vector<16xi32> to vector<32xbf16>
          %bitcast3A_343 = vector.bitcast %gather3A_341 : vector<16xi32> to vector<32xbf16>
          %mul3A_344 = arith.mulf %bitcast3A_342, %bitcast3A_343 : vector<32xbf16>
          %unpack3A_345 = tpu.unpack_subelements %mul3A_344, 0 {pack_format = #tpu.pack_format<interleaved>} : vector<32xbf16> -> vector<16xf32>
          %unpack3A_346 = tpu.unpack_subelements %mul3A_344, 1 {pack_format = #tpu.pack_format<interleaved>} : vector<32xbf16> -> vector<16xf32>
          %add3A_347 = arith.addf %add3A_292, %unpack3A_345 : vector<16xf32>
          %add3A_348 = arith.addf %add3A_293, %unpack3A_346 : vector<16xf32>
          %add3A_349 = arith.constant 16 : i32
          %add3A_350 = vector.broadcast %add3A_349 : i32 to vector<16xi32>
          %add3A_351 = arith.addi %and3A_336, %add3A_350 : vector<16xi32>
          %gather3A_352 = tpu.vector_load_idx %arg9[%add3A_127, %add3A_351] : memref<80x64xi32, #tpu.memory_space<vmem>>[vector<16xi32>, vector<16xi32>], vector<16xi32>,
          %gather3A_353 = tpu.vector_load_idx %arg11[%add3A_127, %add3A_351] : memref<80x64xi32, #tpu.memory_space<vmem>>[vector<16xi32>, vector<16xi32>], vector<16xi32>,
          %bitcast3A_354 = vector.bitcast %gather3A_352 : vector<16xi32> to vector<32xbf16>
          %bitcast3A_355 = vector.bitcast %gather3A_353 : vector<16xi32> to vector<32xbf16>
          %mul3A_356 = arith.mulf %bitcast3A_354, %bitcast3A_355 : vector<32xbf16>
          %unpack3A_357 = tpu.unpack_subelements %mul3A_356, 0 {pack_format = #tpu.pack_format<interleaved>} : vector<32xbf16> -> vector<16xf32>
          %unpack3A_358 = tpu.unpack_subelements %mul3A_356, 1 {pack_format = #tpu.pack_format<interleaved>} : vector<32xbf16> -> vector<16xf32>
          %add3A_359 = arith.addf %add3A_304, %unpack3A_357 : vector<16xf32>
          %add3A_360 = arith.addf %add3A_305, %unpack3A_358 : vector<16xf32>
          %add3A_361 = arith.constant 32 : i32
          %add3A_362 = vector.broadcast %add3A_361 : i32 to vector<16xi32>
          %add3A_363 = arith.addi %and3A_336, %add3A_362 : vector<16xi32>
          %gather3A_364 = tpu.vector_load_idx %arg9[%add3A_127, %add3A_363] : memref<80x64xi32, #tpu.memory_space<vmem>>[vector<16xi32>, vector<16xi32>], vector<16xi32>,
          %gather3A_365 = tpu.vector_load_idx %arg11[%add3A_127, %add3A_363] : memref<80x64xi32, #tpu.memory_space<vmem>>[vector<16xi32>, vector<16xi32>], vector<16xi32>,
          %bitcast3A_366 = vector.bitcast %gather3A_364 : vector<16xi32> to vector<32xbf16>
          %bitcast3A_367 = vector.bitcast %gather3A_365 : vector<16xi32> to vector<32xbf16>
          %mul3A_368 = arith.mulf %bitcast3A_366, %bitcast3A_367 : vector<32xbf16>
          %unpack3A_369 = tpu.unpack_subelements %mul3A_368, 0 {pack_format = #tpu.pack_format<interleaved>} : vector<32xbf16> -> vector<16xf32>
          %unpack3A_370 = tpu.unpack_subelements %mul3A_368, 1 {pack_format = #tpu.pack_format<interleaved>} : vector<32xbf16> -> vector<16xf32>
          %add3A_371 = arith.addf %add3A_316, %unpack3A_369 : vector<16xf32>
          %add3A_372 = arith.addf %add3A_317, %unpack3A_370 : vector<16xf32>
          %add3A_373 = arith.constant 48 : i32
          %add3A_374 = vector.broadcast %add3A_373 : i32 to vector<16xi32>
          %add3A_375 = arith.addi %and3A_336, %add3A_374 : vector<16xi32>
          %gather3A_376 = tpu.vector_load_idx %arg9[%add3A_127, %add3A_375] : memref<80x64xi32, #tpu.memory_space<vmem>>[vector<16xi32>, vector<16xi32>], vector<16xi32>,
          %gather3A_377 = tpu.vector_load_idx %arg11[%add3A_127, %add3A_375] : memref<80x64xi32, #tpu.memory_space<vmem>>[vector<16xi32>, vector<16xi32>], vector<16xi32>,
          %bitcast3A_378 = vector.bitcast %gather3A_376 : vector<16xi32> to vector<32xbf16>
          %bitcast3A_379 = vector.bitcast %gather3A_377 : vector<16xi32> to vector<32xbf16>
          %mul3A_380 = arith.mulf %bitcast3A_378, %bitcast3A_379 : vector<32xbf16>
          %unpack3A_381 = tpu.unpack_subelements %mul3A_380, 0 {pack_format = #tpu.pack_format<interleaved>} : vector<32xbf16> -> vector<16xf32>
          %unpack3A_382 = tpu.unpack_subelements %mul3A_380, 1 {pack_format = #tpu.pack_format<interleaved>} : vector<32xbf16> -> vector<16xf32>
          %add3A_383 = arith.addf %add3A_328, %unpack3A_381 : vector<16xf32>
          %add3A_384 = arith.addf %add3A_329, %unpack3A_382 : vector<16xf32>
          scf.yield %add3A_347, %add3A_348, %add3A_359, %add3A_360, %add3A_371, %add3A_372, %add3A_383, %add3A_384 : vector<16xf32>, vector<16xf32>, vector<16xf32>, vector<16xf32>, vector<16xf32>, vector<16xf32>, vector<16xf32>, vector<16xf32>
        }
        %scan3A_148 = arith.constant 16 : i32
        %add3A_149 = arith.addf %scan3A_147#0, %scan3A_147#1 : vector<16xf32>
        %add3A_150 = arith.addf %scan3A_147#2, %scan3A_147#3 : vector<16xf32>
        %add3A_151 = arith.addf %scan3A_147#4, %scan3A_147#5 : vector<16xf32>
        %add3A_152 = arith.addf %scan3A_147#6, %scan3A_147#7 : vector<16xf32>
        %add3A_153 = arith.addf %add3A_149, %add3A_150 : vector<16xf32>
        %add3A_154 = arith.addf %add3A_151, %add3A_152 : vector<16xf32>
        %add3A_155 = arith.addf %add3A_153, %add3A_154 : vector<16xf32>
        %mul3A_156 = arith.constant 80 : i32
        %mul3A_157 = arith.muli %add3A_116, %mul3A_156 : i32
        %mul3A_158 = arith.constant 16 : i32
        %mul3A_159 = arith.muli %scan3A_123, %mul3A_158 : i32
        %add3A_160 = arith.addi %mul3A_157, %mul3A_159 : i32
        %swap3A = arith.index_cast %add3A_160 : i32 to index
        %swap3A_161 = tpu.vector_load %arg12[%swap3A] {strides = array<i32>} : memref<10000xf32, #tpu.memory_space<vmem>>, vector<16xf32>,
        tpu.vector_store %arg12[%swap3A], %add3A_155 {strides = array<i32>} : memref<10000xf32, #tpu.memory_space<vmem>>, vector<16xf32>,
      }
      %scan3A_122 = arith.constant 5 : i32
    }
    %scan3A_35 = arith.constant 62 : i32
    %dma_wait3A_36 = arith.constant 9920 : i32
    %dma_wait3A_37 = tpu.memref_slice %arg6[%dma_wait3A_36] : memref<10000xi32, #tpu.memory_space<vmem>> -> memref<80xi32, #tpu.memory_space<vmem>>
    %dma_wait3A_38 = arith.constant 0 : i32
    %dma_wait3A_39 = arith.constant 0 : i32
    %dma_wait3A_40 = tpu.memref_slice %arg2[%dma_wait3A_38, %dma_wait3A_39] : memref<10000x64xi32, #tpu.memory_space<hbm>> -> memref<10000x64xi32, #tpu.memory_space<hbm>>
    tpu.wait_indirect_dma semaphore(%arg15 : memref<!tpu.dma_semaphore, #tpu.memory_space<semaphore_mem>>) src(%dma_wait3A_40 : memref<10000x64xi32, #tpu.memory_space<hbm>>) dst(%arg8 : memref<80x64xi32, #tpu.memory_space<vmem>>)
    %dma_wait3A_41 = arith.constant 9920 : i32
    %dma_wait3A_42 = tpu.memref_slice %arg7[%dma_wait3A_41] : memref<10000xi32, #tpu.memory_space<vmem>> -> memref<80xi32, #tpu.memory_space<vmem>>
    %dma_wait3A_43 = arith.constant 0 : i32
    %dma_wait3A_44 = arith.constant 0 : i32
    %dma_wait3A_45 = tpu.memref_slice %arg3[%dma_wait3A_43, %dma_wait3A_44] : memref<10000x64xi32, #tpu.memory_space<hbm>> -> memref<10000x64xi32, #tpu.memory_space<hbm>>
    tpu.wait_indirect_dma semaphore(%arg17 : memref<!tpu.dma_semaphore, #tpu.memory_space<semaphore_mem>>) src(%dma_wait3A_45 : memref<10000x64xi32, #tpu.memory_space<hbm>>) dst(%arg10 : memref<80x64xi32, #tpu.memory_space<vmem>>)
    %scan3A_46 = arith.constant 0 : i32
    %scan3A_47 = arith.constant 0 : i32
    %scan3A_48 = arith.constant 5 : i32
    %scan3A_49 = arith.addi %scan3A_47, %scan3A_48 : i32
    %scan3A_50 = arith.constant 1 : i32
    scf.for %scan3A_52 = %scan3A_47 to %scan3A_49 step %scan3A_50  : i32 {
      %mul3A_53 = arith.constant 16 : i32
      %mul3A_54 = arith.muli %scan3A_52, %mul3A_53 : i32
      %add3A_55 = vector.broadcast %mul3A_54 : i32 to vector<16xi32>
      %add3A_56 = arith.addi %add3A_55, %iota3A : vector<16xi32>
      %broadcast_in_dim3A = arith.constant 0.000000e+00 : f32
      %broadcast_in_dim3A_57 = vector.broadcast %broadcast_in_dim3A : f32 to vector<16xf32>
      %broadcast_in_dim3A_58 = arith.constant 0.000000e+00 : f32
      %broadcast_in_dim3A_59 = vector.broadcast %broadcast_in_dim3A_58 : f32 to vector<16xf32>
      %broadcast_in_dim3A_60 = arith.constant 0.000000e+00 : f32
      %broadcast_in_dim3A_61 = vector.broadcast %broadcast_in_dim3A_60 : f32 to vector<16xf32>
      %broadcast_in_dim3A_62 = arith.constant 0.000000e+00 : f32
      %broadcast_in_dim3A_63 = vector.broadcast %broadcast_in_dim3A_62 : f32 to vector<16xf32>
      %broadcast_in_dim3A_64 = arith.constant 0.000000e+00 : f32
      %broadcast_in_dim3A_65 = vector.broadcast %broadcast_in_dim3A_64 : f32 to vector<16xf32>
      %broadcast_in_dim3A_66 = arith.constant 0.000000e+00 : f32
      %broadcast_in_dim3A_67 = vector.broadcast %broadcast_in_dim3A_66 : f32 to vector<16xf32>
      %broadcast_in_dim3A_68 = arith.constant 0.000000e+00 : f32
      %broadcast_in_dim3A_69 = vector.broadcast %broadcast_in_dim3A_68 : f32 to vector<16xf32>
      %broadcast_in_dim3A_70 = arith.constant 0.000000e+00 : f32
      %broadcast_in_dim3A_71 = vector.broadcast %broadcast_in_dim3A_70 : f32 to vector<16xf32>
      %scan3A_72 = arith.constant 0 : i32
      %scan3A_73 = arith.constant 16 : i32
      %scan3A_74 = arith.addi %scan3A_72, %scan3A_73 : i32
      %scan3A_75 = arith.constant 4 : i32
      %scan3A_76:8 = scf.for %scan3A_90 = %scan3A_72 to %scan3A_74 step %scan3A_75 iter_args(%scan3A_91 = %broadcast_in_dim3A_57, %scan3A_92 = %broadcast_in_dim3A_59, %scan3A_93 = %broadcast_in_dim3A_61, %scan3A_94 = %broadcast_in_dim3A_63, %scan3A_95 = %broadcast_in_dim3A_65, %scan3A_96 = %broadcast_in_dim3A_67, %scan3A_97 = %broadcast_in_dim3A_69, %scan3A_98 = %broadcast_in_dim3A_71) -> (vector<16xf32>, vector<16xf32>, vector<16xf32>, vector<16xf32>, vector<16xf32>, vector<16xf32>, vector<16xf32>, vector<16xf32>)  : i32 {
        %add3A_99 = vector.broadcast %scan3A_90 : i32 to vector<16xi32>
        %add3A_100 = arith.addi %iota3A, %add3A_99 : vector<16xi32>
        %and3A = arith.constant 15 : i32
        %and3A_101 = vector.broadcast %and3A : i32 to vector<16xi32>
        %and3A_102 = arith.andi %add3A_100, %and3A_101 : vector<16xi32>
        %add3A_103 = arith.constant 0 : i32
        %add3A_104 = vector.broadcast %add3A_103 : i32 to vector<16xi32>
        %add3A_105 = arith.addi %and3A_102, %add3A_104 : vector<16xi32>
        %gather3A = tpu.vector_load_idx %arg8[%add3A_56, %add3A_105] : memref<80x64xi32, #tpu.memory_space<vmem>>[vector<16xi32>, vector<16xi32>], vector<16xi32>,
        %gather3A_106 = tpu.vector_load_idx %arg10[%add3A_56, %add3A_105] : memref<80x64xi32, #tpu.memory_space<vmem>>[vector<16xi32>, vector<16xi32>], vector<16xi32>,
        %bitcast3A = vector.bitcast %gather3A : vector<16xi32> to vector<32xbf16>
        %bitcast3A_107 = vector.bitcast %gather3A_106 : vector<16xi32> to vector<32xbf16>
        %mul3A_108 = arith.mulf %bitcast3A, %bitcast3A_107 : vector<32xbf16>
        %unpack3A = tpu.unpack_subelements %mul3A_108, 0 {pack_format = #tpu.pack_format<interleaved>} : vector<32xbf16> -> vector<16xf32>
        %unpack3A_109 = tpu.unpack_subelements %mul3A_108, 1 {pack_format = #tpu.pack_format<interleaved>} : vector<32xbf16> -> vector<16xf32>
        %add3A_110 = arith.addf %scan3A_91, %unpack3A : vector<16xf32>
        %add3A_111 = arith.addf %scan3A_92, %unpack3A_109 : vector<16xf32>
        %add3A_112 = arith.constant 16 : i32
        %add3A_113 = vector.broadcast %add3A_112 : i32 to vector<16xi32>
        %add3A_114 = arith.addi %and3A_102, %add3A_113 : vector<16xi32>
        %gather3A_115 = tpu.vector_load_idx %arg8[%add3A_56, %add3A_114] : memref<80x64xi32, #tpu.memory_space<vmem>>[vector<16xi32>, vector<16xi32>], vector<16xi32>,
        %gather3A_116 = tpu.vector_load_idx %arg10[%add3A_56, %add3A_114] : memref<80x64xi32, #tpu.memory_space<vmem>>[vector<16xi32>, vector<16xi32>], vector<16xi32>,
        %bitcast3A_117 = vector.bitcast %gather3A_115 : vector<16xi32> to vector<32xbf16>
        %bitcast3A_118 = vector.bitcast %gather3A_116 : vector<16xi32> to vector<32xbf16>
        %mul3A_119 = arith.mulf %bitcast3A_117, %bitcast3A_118 : vector<32xbf16>
        %unpack3A_120 = tpu.unpack_subelements %mul3A_119, 0 {pack_format = #tpu.pack_format<interleaved>} : vector<32xbf16> -> vector<16xf32>
        %unpack3A_121 = tpu.unpack_subelements %mul3A_119, 1 {pack_format = #tpu.pack_format<interleaved>} : vector<32xbf16> -> vector<16xf32>
        %add3A_122 = arith.addf %scan3A_93, %unpack3A_120 : vector<16xf32>
        %add3A_123 = arith.addf %scan3A_94, %unpack3A_121 : vector<16xf32>
        %add3A_124 = arith.constant 32 : i32
        %add3A_125 = vector.broadcast %add3A_124 : i32 to vector<16xi32>
        %add3A_126 = arith.addi %and3A_102, %add3A_125 : vector<16xi32>
        %gather3A_127 = tpu.vector_load_idx %arg8[%add3A_56, %add3A_126] : memref<80x64xi32, #tpu.memory_space<vmem>>[vector<16xi32>, vector<16xi32>], vector<16xi32>,
        %gather3A_128 = tpu.vector_load_idx %arg10[%add3A_56, %add3A_126] : memref<80x64xi32, #tpu.memory_space<vmem>>[vector<16xi32>, vector<16xi32>], vector<16xi32>,
        %bitcast3A_129 = vector.bitcast %gather3A_127 : vector<16xi32> to vector<32xbf16>
        %bitcast3A_130 = vector.bitcast %gather3A_128 : vector<16xi32> to vector<32xbf16>
        %mul3A_131 = arith.mulf %bitcast3A_129, %bitcast3A_130 : vector<32xbf16>
        %unpack3A_132 = tpu.unpack_subelements %mul3A_131, 0 {pack_format = #tpu.pack_format<interleaved>} : vector<32xbf16> -> vector<16xf32>
        %unpack3A_133 = tpu.unpack_subelements %mul3A_131, 1 {pack_format = #tpu.pack_format<interleaved>} : vector<32xbf16> -> vector<16xf32>
        %add3A_134 = arith.addf %scan3A_95, %unpack3A_132 : vector<16xf32>
        %add3A_135 = arith.addf %scan3A_96, %unpack3A_133 : vector<16xf32>
        %add3A_136 = arith.constant 48 : i32
        %add3A_137 = vector.broadcast %add3A_136 : i32 to vector<16xi32>
        %add3A_138 = arith.addi %and3A_102, %add3A_137 : vector<16xi32>
        %gather3A_139 = tpu.vector_load_idx %arg8[%add3A_56, %add3A_138] : memref<80x64xi32, #tpu.memory_space<vmem>>[vector<16xi32>, vector<16xi32>], vector<16xi32>,
        %gather3A_140 = tpu.vector_load_idx %arg10[%add3A_56, %add3A_138] : memref<80x64xi32, #tpu.memory_space<vmem>>[vector<16xi32>, vector<16xi32>], vector<16xi32>,
        %bitcast3A_141 = vector.bitcast %gather3A_139 : vector<16xi32> to vector<32xbf16>
        %bitcast3A_142 = vector.bitcast %gather3A_140 : vector<16xi32> to vector<32xbf16>
        %mul3A_143 = arith.mulf %bitcast3A_141, %bitcast3A_142 : vector<32xbf16>
        %unpack3A_144 = tpu.unpack_subelements %mul3A_143, 0 {pack_format = #tpu.pack_format<interleaved>} : vector<32xbf16> -> vector<16xf32>
        %unpack3A_145 = tpu.unpack_subelements %mul3A_143, 1 {pack_format = #tpu.pack_format<interleaved>} : vector<32xbf16> -> vector<16xf32>
        %add3A_146 = arith.addf %scan3A_97, %unpack3A_144 : vector<16xf32>
        %add3A_147 = arith.addf %scan3A_98, %unpack3A_145 : vector<16xf32>
        %scan3A_148 = arith.constant 1 : i32
        %scan3A_149 = arith.addi %scan3A_90, %scan3A_148 : i32
        %add3A_150 = vector.broadcast %scan3A_149 : i32 to vector<16xi32>
        %add3A_151 = arith.addi %iota3A, %add3A_150 : vector<16xi32>
        %and3A_152 = arith.constant 15 : i32
        %and3A_153 = vector.broadcast %and3A_152 : i32 to vector<16xi32>
        %and3A_154 = arith.andi %add3A_151, %and3A_153 : vector<16xi32>
        %add3A_155 = arith.constant 0 : i32
        %add3A_156 = vector.broadcast %add3A_155 : i32 to vector<16xi32>
        %add3A_157 = arith.addi %and3A_154, %add3A_156 : vector<16xi32>
        %gather3A_158 = tpu.vector_load_idx %arg8[%add3A_56, %add3A_157] : memref<80x64xi32, #tpu.memory_space<vmem>>[vector<16xi32>, vector<16xi32>], vector<16xi32>,
        %gather3A_159 = tpu.vector_load_idx %arg10[%add3A_56, %add3A_157] : memref<80x64xi32, #tpu.memory_space<vmem>>[vector<16xi32>, vector<16xi32>], vector<16xi32>,
        %bitcast3A_160 = vector.bitcast %gather3A_158 : vector<16xi32> to vector<32xbf16>
        %bitcast3A_161 = vector.bitcast %gather3A_159 : vector<16xi32> to vector<32xbf16>
        %mul3A_162 = arith.mulf %bitcast3A_160, %bitcast3A_161 : vector<32xbf16>
        %unpack3A_163 = tpu.unpack_subelements %mul3A_162, 0 {pack_format = #tpu.pack_format<interleaved>} : vector<32xbf16> -> vector<16xf32>
        %unpack3A_164 = tpu.unpack_subelements %mul3A_162, 1 {pack_format = #tpu.pack_format<interleaved>} : vector<32xbf16> -> vector<16xf32>
        %add3A_165 = arith.addf %add3A_110, %unpack3A_163 : vector<16xf32>
        %add3A_166 = arith.addf %add3A_111, %unpack3A_164 : vector<16xf32>
        %add3A_167 = arith.constant 16 : i32
        %add3A_168 = vector.broadcast %add3A_167 : i32 to vector<16xi32>
        %add3A_169 = arith.addi %and3A_154, %add3A_168 : vector<16xi32>
        %gather3A_170 = tpu.vector_load_idx %arg8[%add3A_56, %add3A_169] : memref<80x64xi32, #tpu.memory_space<vmem>>[vector<16xi32>, vector<16xi32>], vector<16xi32>,
        %gather3A_171 = tpu.vector_load_idx %arg10[%add3A_56, %add3A_169] : memref<80x64xi32, #tpu.memory_space<vmem>>[vector<16xi32>, vector<16xi32>], vector<16xi32>,
        %bitcast3A_172 = vector.bitcast %gather3A_170 : vector<16xi32> to vector<32xbf16>
        %bitcast3A_173 = vector.bitcast %gather3A_171 : vector<16xi32> to vector<32xbf16>
        %mul3A_174 = arith.mulf %bitcast3A_172, %bitcast3A_173 : vector<32xbf16>
        %unpack3A_175 = tpu.unpack_subelements %mul3A_174, 0 {pack_format = #tpu.pack_format<interleaved>} : vector<32xbf16> -> vector<16xf32>
        %unpack3A_176 = tpu.unpack_subelements %mul3A_174, 1 {pack_format = #tpu.pack_format<interleaved>} : vector<32xbf16> -> vector<16xf32>
        %add3A_177 = arith.addf %add3A_122, %unpack3A_175 : vector<16xf32>
        %add3A_178 = arith.addf %add3A_123, %unpack3A_176 : vector<16xf32>
        %add3A_179 = arith.constant 32 : i32
        %add3A_180 = vector.broadcast %add3A_179 : i32 to vector<16xi32>
        %add3A_181 = arith.addi %and3A_154, %add3A_180 : vector<16xi32>
        %gather3A_182 = tpu.vector_load_idx %arg8[%add3A_56, %add3A_181] : memref<80x64xi32, #tpu.memory_space<vmem>>[vector<16xi32>, vector<16xi32>], vector<16xi32>,
        %gather3A_183 = tpu.vector_load_idx %arg10[%add3A_56, %add3A_181] : memref<80x64xi32, #tpu.memory_space<vmem>>[vector<16xi32>, vector<16xi32>], vector<16xi32>,
        %bitcast3A_184 = vector.bitcast %gather3A_182 : vector<16xi32> to vector<32xbf16>
        %bitcast3A_185 = vector.bitcast %gather3A_183 : vector<16xi32> to vector<32xbf16>
        %mul3A_186 = arith.mulf %bitcast3A_184, %bitcast3A_185 : vector<32xbf16>
        %unpack3A_187 = tpu.unpack_subelements %mul3A_186, 0 {pack_format = #tpu.pack_format<interleaved>} : vector<32xbf16> -> vector<16xf32>
        %unpack3A_188 = tpu.unpack_subelements %mul3A_186, 1 {pack_format = #tpu.pack_format<interleaved>} : vector<32xbf16> -> vector<16xf32>
        %add3A_189 = arith.addf %add3A_134, %unpack3A_187 : vector<16xf32>
        %add3A_190 = arith.addf %add3A_135, %unpack3A_188 : vector<16xf32>
        %add3A_191 = arith.constant 48 : i32
        %add3A_192 = vector.broadcast %add3A_191 : i32 to vector<16xi32>
        %add3A_193 = arith.addi %and3A_154, %add3A_192 : vector<16xi32>
        %gather3A_194 = tpu.vector_load_idx %arg8[%add3A_56, %add3A_193] : memref<80x64xi32, #tpu.memory_space<vmem>>[vector<16xi32>, vector<16xi32>], vector<16xi32>,
        %gather3A_195 = tpu.vector_load_idx %arg10[%add3A_56, %add3A_193] : memref<80x64xi32, #tpu.memory_space<vmem>>[vector<16xi32>, vector<16xi32>], vector<16xi32>,
        %bitcast3A_196 = vector.bitcast %gather3A_194 : vector<16xi32> to vector<32xbf16>
        %bitcast3A_197 = vector.bitcast %gather3A_195 : vector<16xi32> to vector<32xbf16>
        %mul3A_198 = arith.mulf %bitcast3A_196, %bitcast3A_197 : vector<32xbf16>
        %unpack3A_199 = tpu.unpack_subelements %mul3A_198, 0 {pack_format = #tpu.pack_format<interleaved>} : vector<32xbf16> -> vector<16xf32>
        %unpack3A_200 = tpu.unpack_subelements %mul3A_198, 1 {pack_format = #tpu.pack_format<interleaved>} : vector<32xbf16> -> vector<16xf32>
        %add3A_201 = arith.addf %add3A_146, %unpack3A_199 : vector<16xf32>
        %add3A_202 = arith.addf %add3A_147, %unpack3A_200 : vector<16xf32>
        %scan3A_203 = arith.constant 2 : i32
        %scan3A_204 = arith.addi %scan3A_90, %scan3A_203 : i32
        %add3A_205 = vector.broadcast %scan3A_204 : i32 to vector<16xi32>
        %add3A_206 = arith.addi %iota3A, %add3A_205 : vector<16xi32>
        %and3A_207 = arith.constant 15 : i32
        %and3A_208 = vector.broadcast %and3A_207 : i32 to vector<16xi32>
        %and3A_209 = arith.andi %add3A_206, %and3A_208 : vector<16xi32>
        %add3A_210 = arith.constant 0 : i32
        %add3A_211 = vector.broadcast %add3A_210 : i32 to vector<16xi32>
        %add3A_212 = arith.addi %and3A_209, %add3A_211 : vector<16xi32>
        %gather3A_213 = tpu.vector_load_idx %arg8[%add3A_56, %add3A_212] : memref<80x64xi32, #tpu.memory_space<vmem>>[vector<16xi32>, vector<16xi32>], vector<16xi32>,
        %gather3A_214 = tpu.vector_load_idx %arg10[%add3A_56, %add3A_212] : memref<80x64xi32, #tpu.memory_space<vmem>>[vector<16xi32>, vector<16xi32>], vector<16xi32>,
        %bitcast3A_215 = vector.bitcast %gather3A_213 : vector<16xi32> to vector<32xbf16>
        %bitcast3A_216 = vector.bitcast %gather3A_214 : vector<16xi32> to vector<32xbf16>
        %mul3A_217 = arith.mulf %bitcast3A_215, %bitcast3A_216 : vector<32xbf16>
        %unpack3A_218 = tpu.unpack_subelements %mul3A_217, 0 {pack_format = #tpu.pack_format<interleaved>} : vector<32xbf16> -> vector<16xf32>
        %unpack3A_219 = tpu.unpack_subelements %mul3A_217, 1 {pack_format = #tpu.pack_format<interleaved>} : vector<32xbf16> -> vector<16xf32>
        %add3A_220 = arith.addf %add3A_165, %unpack3A_218 : vector<16xf32>
        %add3A_221 = arith.addf %add3A_166, %unpack3A_219 : vector<16xf32>
        %add3A_222 = arith.constant 16 : i32
        %add3A_223 = vector.broadcast %add3A_222 : i32 to vector<16xi32>
        %add3A_224 = arith.addi %and3A_209, %add3A_223 : vector<16xi32>
        %gather3A_225 = tpu.vector_load_idx %arg8[%add3A_56, %add3A_224] : memref<80x64xi32, #tpu.memory_space<vmem>>[vector<16xi32>, vector<16xi32>], vector<16xi32>,
        %gather3A_226 = tpu.vector_load_idx %arg10[%add3A_56, %add3A_224] : memref<80x64xi32, #tpu.memory_space<vmem>>[vector<16xi32>, vector<16xi32>], vector<16xi32>,
        %bitcast3A_227 = vector.bitcast %gather3A_225 : vector<16xi32> to vector<32xbf16>
        %bitcast3A_228 = vector.bitcast %gather3A_226 : vector<16xi32> to vector<32xbf16>
        %mul3A_229 = arith.mulf %bitcast3A_227, %bitcast3A_228 : vector<32xbf16>
        %unpack3A_230 = tpu.unpack_subelements %mul3A_229, 0 {pack_format = #tpu.pack_format<interleaved>} : vector<32xbf16> -> vector<16xf32>
        %unpack3A_231 = tpu.unpack_subelements %mul3A_229, 1 {pack_format = #tpu.pack_format<interleaved>} : vector<32xbf16> -> vector<16xf32>
        %add3A_232 = arith.addf %add3A_177, %unpack3A_230 : vector<16xf32>
        %add3A_233 = arith.addf %add3A_178, %unpack3A_231 : vector<16xf32>
        %add3A_234 = arith.constant 32 : i32
        %add3A_235 = vector.broadcast %add3A_234 : i32 to vector<16xi32>
        %add3A_236 = arith.addi %and3A_209, %add3A_235 : vector<16xi32>
        %gather3A_237 = tpu.vector_load_idx %arg8[%add3A_56, %add3A_236] : memref<80x64xi32, #tpu.memory_space<vmem>>[vector<16xi32>, vector<16xi32>], vector<16xi32>,
        %gather3A_238 = tpu.vector_load_idx %arg10[%add3A_56, %add3A_236] : memref<80x64xi32, #tpu.memory_space<vmem>>[vector<16xi32>, vector<16xi32>], vector<16xi32>,
        %bitcast3A_239 = vector.bitcast %gather3A_237 : vector<16xi32> to vector<32xbf16>
        %bitcast3A_240 = vector.bitcast %gather3A_238 : vector<16xi32> to vector<32xbf16>
        %mul3A_241 = arith.mulf %bitcast3A_239, %bitcast3A_240 : vector<32xbf16>
        %unpack3A_242 = tpu.unpack_subelements %mul3A_241, 0 {pack_format = #tpu.pack_format<interleaved>} : vector<32xbf16> -> vector<16xf32>
        %unpack3A_243 = tpu.unpack_subelements %mul3A_241, 1 {pack_format = #tpu.pack_format<interleaved>} : vector<32xbf16> -> vector<16xf32>
        %add3A_244 = arith.addf %add3A_189, %unpack3A_242 : vector<16xf32>
        %add3A_245 = arith.addf %add3A_190, %unpack3A_243 : vector<16xf32>
        %add3A_246 = arith.constant 48 : i32
        %add3A_247 = vector.broadcast %add3A_246 : i32 to vector<16xi32>
        %add3A_248 = arith.addi %and3A_209, %add3A_247 : vector<16xi32>
        %gather3A_249 = tpu.vector_load_idx %arg8[%add3A_56, %add3A_248] : memref<80x64xi32, #tpu.memory_space<vmem>>[vector<16xi32>, vector<16xi32>], vector<16xi32>,
        %gather3A_250 = tpu.vector_load_idx %arg10[%add3A_56, %add3A_248] : memref<80x64xi32, #tpu.memory_space<vmem>>[vector<16xi32>, vector<16xi32>], vector<16xi32>,
        %bitcast3A_251 = vector.bitcast %gather3A_249 : vector<16xi32> to vector<32xbf16>
        %bitcast3A_252 = vector.bitcast %gather3A_250 : vector<16xi32> to vector<32xbf16>
        %mul3A_253 = arith.mulf %bitcast3A_251, %bitcast3A_252 : vector<32xbf16>
        %unpack3A_254 = tpu.unpack_subelements %mul3A_253, 0 {pack_format = #tpu.pack_format<interleaved>} : vector<32xbf16> -> vector<16xf32>
        %unpack3A_255 = tpu.unpack_subelements %mul3A_253, 1 {pack_format = #tpu.pack_format<interleaved>} : vector<32xbf16> -> vector<16xf32>
        %add3A_256 = arith.addf %add3A_201, %unpack3A_254 : vector<16xf32>
        %add3A_257 = arith.addf %add3A_202, %unpack3A_255 : vector<16xf32>
        %scan3A_258 = arith.constant 3 : i32
        %scan3A_259 = arith.addi %scan3A_90, %scan3A_258 : i32
        %add3A_260 = vector.broadcast %scan3A_259 : i32 to vector<16xi32>
        %add3A_261 = arith.addi %iota3A, %add3A_260 : vector<16xi32>
        %and3A_262 = arith.constant 15 : i32
        %and3A_263 = vector.broadcast %and3A_262 : i32 to vector<16xi32>
        %and3A_264 = arith.andi %add3A_261, %and3A_263 : vector<16xi32>
        %add3A_265 = arith.constant 0 : i32
        %add3A_266 = vector.broadcast %add3A_265 : i32 to vector<16xi32>
        %add3A_267 = arith.addi %and3A_264, %add3A_266 : vector<16xi32>
        %gather3A_268 = tpu.vector_load_idx %arg8[%add3A_56, %add3A_267] : memref<80x64xi32, #tpu.memory_space<vmem>>[vector<16xi32>, vector<16xi32>], vector<16xi32>,
        %gather3A_269 = tpu.vector_load_idx %arg10[%add3A_56, %add3A_267] : memref<80x64xi32, #tpu.memory_space<vmem>>[vector<16xi32>, vector<16xi32>], vector<16xi32>,
        %bitcast3A_270 = vector.bitcast %gather3A_268 : vector<16xi32> to vector<32xbf16>
        %bitcast3A_271 = vector.bitcast %gather3A_269 : vector<16xi32> to vector<32xbf16>
        %mul3A_272 = arith.mulf %bitcast3A_270, %bitcast3A_271 : vector<32xbf16>
        %unpack3A_273 = tpu.unpack_subelements %mul3A_272, 0 {pack_format = #tpu.pack_format<interleaved>} : vector<32xbf16> -> vector<16xf32>
        %unpack3A_274 = tpu.unpack_subelements %mul3A_272, 1 {pack_format = #tpu.pack_format<interleaved>} : vector<32xbf16> -> vector<16xf32>
        %add3A_275 = arith.addf %add3A_220, %unpack3A_273 : vector<16xf32>
        %add3A_276 = arith.addf %add3A_221, %unpack3A_274 : vector<16xf32>
        %add3A_277 = arith.constant 16 : i32
        %add3A_278 = vector.broadcast %add3A_277 : i32 to vector<16xi32>
        %add3A_279 = arith.addi %and3A_264, %add3A_278 : vector<16xi32>
        %gather3A_280 = tpu.vector_load_idx %arg8[%add3A_56, %add3A_279] : memref<80x64xi32, #tpu.memory_space<vmem>>[vector<16xi32>, vector<16xi32>], vector<16xi32>,
        %gather3A_281 = tpu.vector_load_idx %arg10[%add3A_56, %add3A_279] : memref<80x64xi32, #tpu.memory_space<vmem>>[vector<16xi32>, vector<16xi32>], vector<16xi32>,
        %bitcast3A_282 = vector.bitcast %gather3A_280 : vector<16xi32> to vector<32xbf16>
        %bitcast3A_283 = vector.bitcast %gather3A_281 : vector<16xi32> to vector<32xbf16>
        %mul3A_284 = arith.mulf %bitcast3A_282, %bitcast3A_283 : vector<32xbf16>
        %unpack3A_285 = tpu.unpack_subelements %mul3A_284, 0 {pack_format = #tpu.pack_format<interleaved>} : vector<32xbf16> -> vector<16xf32>
        %unpack3A_286 = tpu.unpack_subelements %mul3A_284, 1 {pack_format = #tpu.pack_format<interleaved>} : vector<32xbf16> -> vector<16xf32>
        %add3A_287 = arith.addf %add3A_232, %unpack3A_285 : vector<16xf32>
        %add3A_288 = arith.addf %add3A_233, %unpack3A_286 : vector<16xf32>
        %add3A_289 = arith.constant 32 : i32
        %add3A_290 = vector.broadcast %add3A_289 : i32 to vector<16xi32>
        %add3A_291 = arith.addi %and3A_264, %add3A_290 : vector<16xi32>
        %gather3A_292 = tpu.vector_load_idx %arg8[%add3A_56, %add3A_291] : memref<80x64xi32, #tpu.memory_space<vmem>>[vector<16xi32>, vector<16xi32>], vector<16xi32>,
        %gather3A_293 = tpu.vector_load_idx %arg10[%add3A_56, %add3A_291] : memref<80x64xi32, #tpu.memory_space<vmem>>[vector<16xi32>, vector<16xi32>], vector<16xi32>,
        %bitcast3A_294 = vector.bitcast %gather3A_292 : vector<16xi32> to vector<32xbf16>
        %bitcast3A_295 = vector.bitcast %gather3A_293 : vector<16xi32> to vector<32xbf16>
        %mul3A_296 = arith.mulf %bitcast3A_294, %bitcast3A_295 : vector<32xbf16>
        %unpack3A_297 = tpu.unpack_subelements %mul3A_296, 0 {pack_format = #tpu.pack_format<interleaved>} : vector<32xbf16> -> vector<16xf32>
        %unpack3A_298 = tpu.unpack_subelements %mul3A_296, 1 {pack_format = #tpu.pack_format<interleaved>} : vector<32xbf16> -> vector<16xf32>
        %add3A_299 = arith.addf %add3A_244, %unpack3A_297 : vector<16xf32>
        %add3A_300 = arith.addf %add3A_245, %unpack3A_298 : vector<16xf32>
        %add3A_301 = arith.constant 48 : i32
        %add3A_302 = vector.broadcast %add3A_301 : i32 to vector<16xi32>
        %add3A_303 = arith.addi %and3A_264, %add3A_302 : vector<16xi32>
        %gather3A_304 = tpu.vector_load_idx %arg8[%add3A_56, %add3A_303] : memref<80x64xi32, #tpu.memory_space<vmem>>[vector<16xi32>, vector<16xi32>], vector<16xi32>,
        %gather3A_305 = tpu.vector_load_idx %arg10[%add3A_56, %add3A_303] : memref<80x64xi32, #tpu.memory_space<vmem>>[vector<16xi32>, vector<16xi32>], vector<16xi32>,
        %bitcast3A_306 = vector.bitcast %gather3A_304 : vector<16xi32> to vector<32xbf16>
        %bitcast3A_307 = vector.bitcast %gather3A_305 : vector<16xi32> to vector<32xbf16>
        %mul3A_308 = arith.mulf %bitcast3A_306, %bitcast3A_307 : vector<32xbf16>
        %unpack3A_309 = tpu.unpack_subelements %mul3A_308, 0 {pack_format = #tpu.pack_format<interleaved>} : vector<32xbf16> -> vector<16xf32>
        %unpack3A_310 = tpu.unpack_subelements %mul3A_308, 1 {pack_format = #tpu.pack_format<interleaved>} : vector<32xbf16> -> vector<16xf32>
        %add3A_311 = arith.addf %add3A_256, %unpack3A_309 : vector<16xf32>
        %add3A_312 = arith.addf %add3A_257, %unpack3A_310 : vector<16xf32>
        scf.yield %add3A_275, %add3A_276, %add3A_287, %add3A_288, %add3A_299, %add3A_300, %add3A_311, %add3A_312 : vector<16xf32>, vector<16xf32>, vector<16xf32>, vector<16xf32>, vector<16xf32>, vector<16xf32>, vector<16xf32>, vector<16xf32>
      }
      %scan3A_77 = arith.constant 16 : i32
      %add3A_78 = arith.addf %scan3A_76#0, %scan3A_76#1 : vector<16xf32>
      %add3A_79 = arith.addf %scan3A_76#2, %scan3A_76#3 : vector<16xf32>
      %add3A_80 = arith.addf %scan3A_76#4, %scan3A_76#5 : vector<16xf32>
      %add3A_81 = arith.addf %scan3A_76#6, %scan3A_76#7 : vector<16xf32>
      %add3A_82 = arith.addf %add3A_78, %add3A_79 : vector<16xf32>
      %add3A_83 = arith.addf %add3A_80, %add3A_81 : vector<16xf32>
      %add3A_84 = arith.addf %add3A_82, %add3A_83 : vector<16xf32>
      %mul3A_85 = arith.constant 16 : i32
      %mul3A_86 = arith.muli %scan3A_52, %mul3A_85 : i32
      %add3A_87 = arith.constant 9920 : i32
      %add3A_88 = arith.addi %add3A_87, %mul3A_86 : i32
      %swap3A = arith.index_cast %add3A_88 : i32 to index
      %swap3A_89 = tpu.vector_load %arg12[%swap3A] {strides = array<i32>} : memref<10000xf32, #tpu.memory_space<vmem>>, vector<16xf32>,
      tpu.vector_store %arg12[%swap3A], %add3A_84 {strides = array<i32>} : memref<10000xf32, #tpu.memory_space<vmem>>, vector<16xf32>,
    }
    %scan3A_51 = arith.constant 5 : i32
    "tpu.region"() ({
      %run_scoped3A = tpu.sem_alloc : memref<!tpu.dma_semaphore, #tpu.memory_space<semaphore_mem>>
      %dma_start3A_52 = tpu.memref_slice %arg5[%mul3A_2] : memref<320000xf32, #tpu.memory_space<hbm>> -> memref<10000xf32, #tpu.memory_space<hbm>>
      %dma_start3A_53 = tpu.memref_slice %arg5[%mul3A_2] : memref<320000xf32, #tpu.memory_space<hbm>> -> memref<10000xf32, #tpu.memory_space<hbm>>
      tpu.enqueue_dma source(%arg12 : memref<10000xf32, #tpu.memory_space<vmem>>) target(%dma_start3A_53 : memref<10000xf32, #tpu.memory_space<hbm>>) target_semaphore(%run_scoped3A : memref<!tpu.dma_semaphore, #tpu.memory_space<semaphore_mem>>)
      %dma_wait3A_54 = tpu.memref_slice %arg5[%mul3A_2] : memref<320000xf32, #tpu.memory_space<hbm>> -> memref<10000xf32, #tpu.memory_space<hbm>>
      %dma_wait3A_55 = tpu.memref_slice %arg5[%mul3A_2] : memref<320000xf32, #tpu.memory_space<hbm>> -> memref<10000xf32, #tpu.memory_space<hbm>>
      tpu.wait_dma2 semaphore(%run_scoped3A : memref<!tpu.dma_semaphore, #tpu.memory_space<semaphore_mem>>) src(%arg12 : memref<10000xf32, #tpu.memory_space<vmem>>) dst(%dma_wait3A_55 : memref<10000xf32, #tpu.memory_space<hbm>>)
      tpu.yield
    }) : () -> ()
    return
  }
}

module attributes {stable_mosaic.version = 14 : i64} {
  func.func @_pack_body(%arg0: memref<10000x128xf32, #tpu.memory_space<vmem>>, %arg1: memref<10000x128xf32, #tpu.memory_space<vmem>>, %arg2: memref<10000x64xi32, #tpu.memory_space<vmem>>, %arg3: memref<10000x64xi32, #tpu.memory_space<vmem>>) attributes {dimension_semantics = [], scalar_prefetch = 0 : i64, scratch_operands = 0 : i64, tpu.core_type = #tpu.core_type<tc>} {
    %get3A = arith.constant 0 : index
    %get3A_0 = arith.constant 0 : index
    %get3A_1 = vector.load %arg0[%get3A, %get3A_0] : memref<10000x128xf32, #tpu.memory_space<vmem>>, vector<10000x128xf32>
    %slice3A = vector.extract_strided_slice %get3A_1 {offsets = [0, 0], sizes = [10000, 64], strides = [1, 1]} : vector<10000x128xf32> to vector<10000x64xf32>
    %convert_element_type3A = arith.truncf %slice3A : vector<10000x64xf32> to vector<10000x64xbf16>
    %bitcast_convert_type3A = tpu.bitcast %convert_element_type3A : vector<10000x64xbf16> -> vector<10000x64xi16>
    %convert_element_type3A_2 = arith.extui %bitcast_convert_type3A : vector<10000x64xi16> to vector<10000x64xi32>
    %slice3A_3 = vector.extract_strided_slice %get3A_1 {offsets = [0, 64], sizes = [10000, 64], strides = [1, 1]} : vector<10000x128xf32> to vector<10000x64xf32>
    %convert_element_type3A_4 = arith.truncf %slice3A_3 : vector<10000x64xf32> to vector<10000x64xbf16>
    %bitcast_convert_type3A_5 = tpu.bitcast %convert_element_type3A_4 : vector<10000x64xbf16> -> vector<10000x64xi16>
    %convert_element_type3A_6 = arith.extui %bitcast_convert_type3A_5 : vector<10000x64xi16> to vector<10000x64xi32>
    %shift_left3A = arith.constant 16 : i32
    %shift_left3A_7 = vector.broadcast %shift_left3A : i32 to vector<10000x64xi32>
    %shift_left3A_8 = arith.shli %convert_element_type3A_6, %shift_left3A_7 : vector<10000x64xi32>
    %or3A = arith.ori %convert_element_type3A_2, %shift_left3A_8 : vector<10000x64xi32>
    %bitcast_convert_type3A_9 = tpu.bitcast %or3A : vector<10000x64xi32> -> vector<10000x64xi32>
    %swap3A = arith.constant 0 : index
    %swap3A_10 = arith.constant 0 : index
    %swap3A_11 = vector.load %arg2[%swap3A, %swap3A_10] : memref<10000x64xi32, #tpu.memory_space<vmem>>, vector<10000x64xi32>
    tpu.vector_store %arg2[%swap3A, %swap3A_10], %bitcast_convert_type3A_9 {strides = array<i32>} : memref<10000x64xi32, #tpu.memory_space<vmem>>, vector<10000x64xi32>,
    %get3A_12 = arith.constant 0 : index
    %get3A_13 = arith.constant 0 : index
    %get3A_14 = vector.load %arg1[%get3A_12, %get3A_13] : memref<10000x128xf32, #tpu.memory_space<vmem>>, vector<10000x128xf32>
    %slice3A_15 = vector.extract_strided_slice %get3A_14 {offsets = [0, 0], sizes = [10000, 64], strides = [1, 1]} : vector<10000x128xf32> to vector<10000x64xf32>
    %convert_element_type3A_16 = arith.truncf %slice3A_15 : vector<10000x64xf32> to vector<10000x64xbf16>
    %bitcast_convert_type3A_17 = tpu.bitcast %convert_element_type3A_16 : vector<10000x64xbf16> -> vector<10000x64xi16>
    %convert_element_type3A_18 = arith.extui %bitcast_convert_type3A_17 : vector<10000x64xi16> to vector<10000x64xi32>
    %slice3A_19 = vector.extract_strided_slice %get3A_14 {offsets = [0, 64], sizes = [10000, 64], strides = [1, 1]} : vector<10000x128xf32> to vector<10000x64xf32>
    %convert_element_type3A_20 = arith.truncf %slice3A_19 : vector<10000x64xf32> to vector<10000x64xbf16>
    %bitcast_convert_type3A_21 = tpu.bitcast %convert_element_type3A_20 : vector<10000x64xbf16> -> vector<10000x64xi16>
    %convert_element_type3A_22 = arith.extui %bitcast_convert_type3A_21 : vector<10000x64xi16> to vector<10000x64xi32>
    %shift_left3A_23 = arith.constant 16 : i32
    %shift_left3A_24 = vector.broadcast %shift_left3A_23 : i32 to vector<10000x64xi32>
    %shift_left3A_25 = arith.shli %convert_element_type3A_22, %shift_left3A_24 : vector<10000x64xi32>
    %or3A_26 = arith.ori %convert_element_type3A_18, %shift_left3A_25 : vector<10000x64xi32>
    %bitcast_convert_type3A_27 = tpu.bitcast %or3A_26 : vector<10000x64xi32> -> vector<10000x64xi32>
    %swap3A_28 = arith.constant 0 : index
    %swap3A_29 = arith.constant 0 : index
    %swap3A_30 = vector.load %arg3[%swap3A_28, %swap3A_29] : memref<10000x64xi32, #tpu.memory_space<vmem>>, vector<10000x64xi32>
    tpu.vector_store %arg3[%swap3A_28, %swap3A_29], %bitcast_convert_type3A_27 {strides = array<i32>} : memref<10000x64xi32, #tpu.memory_space<vmem>>, vector<10000x64xi32>,
    return
  }
}

</mosaic_0001>

<sc_bundles>
// kernel: kernel.4.cloned.1.call-start
scs
__scs_entry_jumppad:
0x0: {  	(pc) =	sbr.rel $0x88, $3  }
0x1: {  	(tag) =	ssettag $0x0;
	lr =	simm.s32 $0x1  }
0x2: {  	[smem:$0x3F9E] =	sst lr;
	_ =	strace $0xD0000000  }
0x3: {  	_ = 	snop  }
0x4: {  	_ = 	snop  }
0x5: {  	_ = 	snop  }
0x6: {  	_ = 	snop  }
0x7: {  	_ = 	snop  }
__scs_overlays_trampoline_lowered:
0x8: {  	[smem:$0x3FAD] =	sst s0  }
0x9: {  	[smem:$0x3FAE] =	sst s1  }
0xa: {  	[smem:$0x3FAF] =	sst s2  }
0xb: {  	[smem:$0x3FB0] =	sst s3  }
0xc: {  	[smem:$0x3FB1] =	sst s4  }
0xd: {  	[smem:$0x3FB2] =	sst s5  }
0xe: {  	[smem:$0x3FB3] =	sst s6  }
0xf: {  	[smem:$0x3FB4] =	sst s7  }
0x10: {  	[smem:$0x3FB5] =	sst s8  }
0x11: {  	[smem:$0x3FB6] =	sst s9;
	s0 =	simm.s32 @!p0 $0x0  }
0x12: {  	s1 =	sld [smem:$0x3F9C];
	s0 =	simm.s32 @p0 $0x1  }
0x13: {  	[smem:$0x3FB7] =	sst s0;
	s0 =	simm.s32 @!p1 $0x0  }
0x14: {  	s2 =	sld [smem:$0x3F9B];
	s0 =	simm.s32 @p1 $0x1  }
0x15: {  	[smem:$0x3FB8] =	sst s0;
	s0 =	simm.s32 @!p2 $0x0  }
0x16: {  	s3 =	sld [smem:$0x3FDB];
	s0 =	simm.s32 @p2 $0x1  }
0x17: {  	s4 =	simm.s32 $0x1BF5;
	[smem:$0x3FBA] =	sst s0  }
0x18: {  	s0 =	sld [smem:$0x3F9D];
	_ =	swait.ge [sflag:s4], $0x0  }
0x19: {  	s7 =	sld [smem:$0x3F9E]  }
0x1a: {  	s8 =	sadd.s32 $0xFFFFE003, lr  }
0x1b: {  	s9 =	sadd.s32 $0xFFFFFEF7, lr;
	s5 =	simm.s32 $0xFFFFFFFF;
	p2 =	slt.u32 s8, $0xFFFFF086  }
0x1c: {  	p1 =	slt.u32 s9, $0xF7A;
	s5 =	simm.s32 @!p2 $0x0  }
0x1d: {  	s5 =	simm.s32 @p1 $0x1;
	p0 =	seq.s32 s7, s2  }
0x1e: {  	s7 =	smul.u32 @!p0 $0xF7A, s2;
	p2 =	seq.s32 @!p0 s5, $0x0  }
0x1f: {  	s9 =	smul.u32 $0xF7A, s1;
	s8 =	simm.s32 @!p0 $0x1BF5;
	p2 =	por !p2, p0  }
0x20: {  	[sflag:s8] =	ssyncset.s32 @!p0 $0xFFFFF086;
	s6 =	sadd.s32 @!p0 s3, s7;
	s7 =	simm.s32 @!p0 $0x108  }
0x21: {  	s3 =	sadd.s32 s3, s9;
	s6 =	sadd.s32 @!p0 $0x88, s6;
	s7 =	simm.s32 @p2 $0x1082  }
0x22: {  	[simem:s7], [sflag:s8] =	dma.local @!p0 [hbm:s6], $0xF7A  }
0x23: {  	s9 =	sor.u32 $0xD0000000, s2;
	s6 =	simm.s32 $0x108;
	_ =	swait.ge @!p0 [sflag:s8], $0x0  }
0x24: {  	s3 =	sadd.s32 $0x88, s3;
	s6 =	simm.s32 @!p1 $0x1082;
	[sflag:s4] =	ssyncset.s32 $0xFFFFF086  }
0x25: {  	[simem:s6], [sflag:s4] =	dma.local [hbm:s3], $0xF7A  }
0x26: {  	[smem:$0x3F9E] =	sst s1;
	(tag) =	ssettag s2;
	_ =	strace s9  }
0x27: {  	s1 =	sld [smem:$0x3FAE]  }
0x28: {  	s2 =	sld [smem:$0x3FAF]  }
0x29: {  	s4 =	sld [smem:$0x3FB1]  }
0x2a: {  	p0 =	seq.s32 s5, $0x0;
	s5 =	sld [smem:$0x3FB2]  }
0x2b: {  	s6 =	sld [smem:$0x3FB3]  }
0x2c: {  	s7 =	sld [smem:$0x3FB4]  }
0x2d: {  	s3 =	simm.s32 $0x108;
	s8 =	sld [smem:$0x3FB5]  }
0x2e: {  	s3 =	simm.s32 @!p0 $0x1082;
	s9 =	sld [smem:$0x3FB6]  }
0x2f: {  	lr =	sadd.s32 s0, s3;
	s0 =	sld [smem:$0x3FAD]  }
0x30: {  	s3 =	sld [smem:$0x3FB0]  }
0x31: {  	[smem:$0x3FB9] =	sst s10  }
0x32: {  	s10 =	sld [smem:$0x3FB7];
	_ =	sdelay $0x3  }
0x33: {  	p0 =	seq.s32 s10, $0x1;
	s10 =	sld [smem:$0x3FB9];
	_ =	sdelay $0x3  }
0x34: {  	[smem:$0x3FB9] =	sst s10  }
0x35: {  	s10 =	sld [smem:$0x3FB8];
	_ =	sdelay $0x3  }
0x36: {  	p1 =	seq.s32 s10, $0x1;
	s10 =	sld [smem:$0x3FB9];
	_ =	sdelay $0x3  }
0x37: {  	[smem:$0x3FB9] =	sst s10  }
0x38: {  	s10 =	sld [smem:$0x3FBA]  }
0x39: {  	_ = 	snop;
	(pc) =	sbr.ind lr, $3  }
0x3a: {  	_ = 	snop  }
0x3b: {  	_ = 	snop  }
0x3c: {  	p2 =	seq.s32 s10, $0x1;
	s10 =	sld [smem:$0x3FB9]  }
0x3d: {  	_ =	shalt  }
0x3e: {  	_ =	shalt  }
0x3f: {  	_ =	shalt  }
0x40: {  	_ =	shalt  }
0x41: {  	_ =	shalt  }
0x42: {  	_ =	shalt  }
0x43: {  	_ =	shalt  }
0x44: {  	_ =	shalt  }
0x45: {  	_ =	shalt  }
0x46: {  	_ =	shalt  }
0x47: {  	_ =	shalt  }
0x48: {  	_ =	shalt  }
0x49: {  	_ =	shalt  }
0x4a: {  	_ =	shalt  }
0x4b: {  	_ =	shalt  }
0x4c: {  	_ =	shalt  }
0x4d: {  	_ =	shalt  }
0x4e: {  	_ =	shalt  }
0x4f: {  	_ =	shalt  }
0x50: {  	_ =	shalt  }
0x51: {  	_ =	shalt  }
0x52: {  	_ =	shalt  }
0x53: {  	_ =	shalt  }
0x54: {  	_ =	shalt  }
0x55: {  	_ =	shalt  }
0x56: {  	_ =	shalt  }
0x57: {  	_ =	shalt  }
0x58: {  	_ =	shalt  }
0x59: {  	_ =	shalt  }
0x5a: {  	_ =	shalt  }
0x5b: {  	_ =	shalt  }
0x5c: {  	_ =	shalt  }
0x5d: {  	_ =	shalt  }
0x5e: {  	_ =	shalt  }
0x5f: {  	_ =	shalt  }
0x60: {  	_ =	shalt  }
0x61: {  	_ =	shalt  }
0x62: {  	_ =	shalt  }
0x63: {  	_ =	shalt  }
0x64: {  	_ =	shalt  }
0x65: {  	_ =	shalt  }
0x66: {  	_ =	shalt  }
0x67: {  	_ =	shalt  }
0x68: {  	_ =	shalt  }
0x69: {  	_ =	shalt  }
0x6a: {  	_ =	shalt  }
0x6b: {  	_ =	shalt  }
0x6c: {  	_ =	shalt  }
0x6d: {  	_ =	shalt  }
0x6e: {  	_ =	shalt  }
0x6f: {  	_ =	shalt  }
0x70: {  	_ =	shalt  }
0x71: {  	_ =	shalt  }
0x72: {  	_ =	shalt  }
0x73: {  	_ =	shalt  }
0x74: {  	_ =	shalt  }
0x75: {  	_ =	shalt  }
0x76: {  	_ =	shalt  }
0x77: {  	_ =	shalt  }
0x78: {  	_ =	shalt  }
0x79: {  	_ =	shalt  }
0x7a: {  	_ =	shalt  }
0x7b: {  	_ =	shalt  }
0x7c: {  	_ =	shalt  }
0x7d: {  	_ =	shalt  }
0x7e: {  	_ =	shalt  }
0x7f: {  	_ =	shalt  }
0x80: {  	_ =	shalt  }
0x81: {  	_ =	shalt  }
0x82: {  	_ =	shalt  }
0x83: {  	_ =	shalt  }
0x84: {  	_ =	shalt  }
0x85: {  	_ =	shalt  }
0x86: {  	_ =	shalt  }
0x87: {  	_ =	shalt  }
.Lfunc_end0:
.L_simem_size_0:
called_computation_lowered:
.L_overlay_start_0:
0x88: {  	s2 =	sld [smem:$0x3FD9]  }
0x89: {  	s3 =	sld [smem:$0x3FFE];
	_ =	sdelay $0x1  }
0x8a: {  	s1 =	srdreg.scid  }
0x8b: {  	s0 =	sand.u32 $0x1, s1  }
0x8c: {  	s17 =	sshll.u32 s0, $0xA;
	s2 =	sadd.s32 s3, s2  }
0x8d: {  	s2 =	sadd.s32 s2, s17  }
0x8e: {  	[smem:$0x3FC5] =	sst s2  }
0x8f: {  	_ = 	snop  }
0x90: {  	s2 =	sld [smem:$0x3FD0];
	(tm) =	ssettm $0x1  }
0x91: {  	s18 =	sld [smem:$0x3FFB];
	_ =	sdelay $0x3  }
0x92: {  	_ =	strace s18  }
0x93: {  	s3 =	sld [smem:$0x3FFC];
	_ =	sdelay $0x3  }
0x94: {  	_ =	strace s3  }
0x95: {  	s3 =	sld [smem:$0x3FFD];
	_ =	sdelay $0x3  }
0x96: {  	_ =	strace s3  }
0x97: {  	_ =	strace $0x8FFFFFFF  }
0x98: {  	s19 =	sld [smem:$0x3FDB];
	_ =	sdelay $0x1  }
0x99: {  	s4 =	simm.s32 $_scs_section_size  }
0x9a: {  	s5 =	simm.s32 $_size__tile_overlayer_lowered;
	s6 =	simm.s32 $_tile_overlayer_lowered  }
0x9b: {  	s22 =	simm.s32 $0x1BFF;
	s21 =	sshll.u32 s6, $0x1;
	s3 =	sadd.s32 s4, s19  }
0x9c: {  	s7 =	simm.s32 $0x0;
	s20 =	sshll.u32 s5, $0x1;
	s5 =	sadd.s32 s21, s3  }
0x9d: {  	[timem:s7], [sflag:s22] =	dma.local [hbm:s5], s20  }
0x9e: {  	_ =	swait.ge [sflag:s22], s20  }
0x9f: {  	s4 =	ssub.s32 $0x0, s20;
	[sflag:s22] =	ssyncset.done $0x0  }
0xa0: {  	[sflag:s22] =	ssyncadd.s32 s4;
	_ =	sdelay $0x1  }
0xa1: {  	s23 =	simm.s32 $0x1B8B  }
0xa2: {  	_ =	swait.ge [sflag:s23], $0x1  }
0xa3: {  	[sflag:s23] =	ssyncset.done $0x0  }
0xa4: {  	s25 =	simm.s32 $0x1B8E;
	s24 =	sld [smem:$0x3FFE];
	[sflag:s23] =	ssyncadd.s32 $0xFFFFFFFF  }
0xa5: {  	s26 =	simm.s32 $execute0_lowered;
	[smem:$0x3FD2] =	sst s25  }
0xa6: {  	s5 =	sshll.u32 s26, $0x1;
	_ =	strace $0x80000046;
	[dreg:$0x1] =	wrdreg $0xFFFFFFFF  }
0xa7: {  	s28 =	simm.s32 $_size_execute0_lowered;
	s3 =	sadd.s32 s3, s5;
	[dreg:$0x0] =	wrdreg $0x0  }
0xa8: {  	s5 =	sshll.u32 s28, $0x1;
	[dreg:$0x2] =	wrdreg s3  }
0xa9: {  	[dreg:$0x3] =	wrdreg s5  }
0xaa: {  	[dreg:$0x4] =	wrdreg $0xC0  }
0xab: {  	_ =	task [dreg:s7], $0x5FFFF  }
0xac: {  	[dreg:$0x1] =	wrdreg $0xFFFFFFFF  }
0xad: {  	[dreg:$0x0] =	wrdreg $0x60  }
0xae: {  	[dreg:$0x2] =	wrdreg s24  }
0xaf: {  	[dreg:$0x3] =	wrdreg s2  }
0xb0: {  	[dreg:$0x4] =	wrdreg $0x9  }
0xb1: {  	_ =	task.clear_ibuf [dreg:s7], $0x5FFFF;
	_ =	strace $0x90000046  }
0xb2: {  	s29 =	simm.s32 $0x9;
	_ =	strace $0x80000048  }
0xb3: {  	_ =	swait.ge [sflag:s29], $0x1  }
0xb4: {  	[sflag:s29] =	ssyncadd.s32 $0xFFFFFFFF  }
0xb5: {  	_ =	strace $0x90000048  }
0xb6: {  	_ =	sfence  }
0xb7: {  	s30 =	sld [smem:$0x0];
	_ =	sdelay $0x2  }
0xb8: {  	s31 =	sshll.u32 s1, $0xD;
	s1 =	sshrl.u32 s1, $0x2  }
0xb9: {  	s3 =	sand.u32 $0x4000, s31;
	s1 =	sadd.s32 s1, s30  }
0xba: {  	s0 =	sor.u32 s3, s0;
	s1 =	sshll.u32 s1, $0x11  }
0xbb: {  	s0 =	sor.u32 s1, s0  }
0xbc: {  	s0 =	sadd.s32 $0x8F2B, s0  }
0xbd: {  	[sflag:s0] =	ssyncadd.remote.s32 $0x1  }
0xbe: {  	_ =	sfence.sel $0xFFFF  }
0xbf: {  	[dreg:$0x0] =	wrdreg $0xFFFFFFFF;
	(pc) =	sbr.abs _section_cstart, $3  }
0xc0: {  	[dreg:$0x1] =	wrdreg $0xFFFFFFFF  }
0xc1: {  	_ =	task.clear_ibuf [dreg:s7], $0x2FFFF;
	_ =	strace $0x9FFFFFFF  }
0xc2: {  	(tm) =	ssettm $0x7FFFFFFF  }
0xc3: {  	_ =	shalt  }
tec
execute0_lowered:
.L_overlay_start_1:
0x0: {  	(tag) =	ssettag $0x1  }
0x1: {  	s1 =	srdreg.scid;
	s4 =	rddreg [dreg:$0x0]  }
0x2: {  	s0 =	stileid.u32;
	s7 =	rddreg [dreg:$0x1]  }
0x3: {  	s9 =	simm.s32 $0x2710;
	s10 =	simm.s32 $0x1;
	s11 =	simm.s32 $0x2  }
0x4: {  	s12 =	simm.s32 $0x50;
	s13 =	simm.s32 $0x4E20;
	s14 =	simm.s32 $0x7620  }
0x5: {  	s15 =	simm.s32 $0x6220;
	s16 =	simm.s32 $0x8A20;
	s17 =	simm.s32 $0x3  }
0x6: {  	s18 =	simm.s32 $0x5;
	s19 =	simm.s32 $0x4;
	s20 =	simm.s32 $0x6  }
0x7: {  	s21 =	simm.s32 $0x9E20;
	s1 =	sand.u32 $0x1, s1;
	s2 =	sshll.u32 s0, $0x1  }
0x8: {  	s22 =	simm.s32 $0x7;
	s3 =	sor.u32 s1, s2;
	s2 =	simm.s32 $0x0  }
0x9: {  	s1 =	ssub.s32 $0x2, s1;
	s3 =	smul.u32 $0x2710, s3;
	[smem:$0x7FF] =	sst s2  }
0xa: {  	s23 =	simm.s32 $0x0;
	s5 =	sshrl.u32 s1, $0x1;
	_ =	strace $0x80000047  }
0xb: {  	s1 =	ssub.s32 s1, s5;
	s8 =	sshrl.u32 s3, $0x3;
	s3 =	sadd.s32 $0x14600, s4  }
0xc: {  	v0 =	vlaneseq.u32;
	s6 =	sadd.s32 s8, s4;
	s4 =	sadd.s32 $0xC00, s4;
	s7 =	sadd.s32 s7, s8  }
0xd: {  	v1 =	vmul.u32 $0x40, v0;
	s8 =	smax.u32 s1, $0x1;
	s5 =	sadd.s32 $0x28000, s6;
	s6 =	sadd.s32 $0x31C40, s6  }
.LBB2_1:
0xe: {  	[tilespmem:s2], [sflag:$0x1] =	stream.linear.gather [hbm4b:s5+s2], $0x2710, $0x38;
	[tilespmem:$0xC530] =	vst v63  }
0xf: {  	_ = 	snop  }
0x10: {  	[tilespmem:s9], [sflag:$0x2] =	stream.linear.gather [hbm4b:s6+s2], $0x2710, $0x38;
	[tilespmem:$0xC530] =	vst v63  }
0x11: {  	_ =	swait.ge [sflag:s10], $0x2710  }
0x12: {  	[sflag:s10] =	ssyncset.done $0x0  }
0x13: {  	[sflag:s10] =	ssyncadd.s32 $0xFFFFD8F0  }
0x14: {  	_ =	swait.ge [sflag:s11], $0x2710  }
0x15: {  	[sflag:s11] =	ssyncset.done $0x0  }
0x16: {  	[sflag:s11] =	ssyncadd.s32 $0xFFFFD8F0  }
0x17: {  	[tilespmem:s13], [sflag:$0x3] =	stream.indirect.gather [hbm4b:s3+s12], $0x40, s2, s12, $0xb8;
	[tilespmem:$0xC530] =	vst v63  }
0x18: {  	s24 =	simm.s32 $0x0  }
0x19: {  	[tilespmem:s14], [sflag:$0x5] =	stream.indirect.gather [hbm4b:s4+s12], $0x40, s9, s12, $0xb8;
	[tilespmem:$0xC530] =	vst v63  }
.LBB2_2:
0x1a: {  	s26 =	smul.u32 $0xA0, s24;
	_ =	sdelay $0x1  }
0x1b: {  	s25 =	sadd.s32 $0x50, s26  }
0x1c: {  	[tilespmem:s15], [sflag:$0x4] =	stream.indirect.gather [hbm4b:s3+s12], $0x40, s25, s12, $0xb8;
	[tilespmem:$0xC530] =	vst v63  }
0x1d: {  	s1 =	sadd.s32 $0x2760, s26  }
0x1e: {  	[tilespmem:s16], [sflag:$0x6] =	stream.indirect.gather [hbm4b:s4+s12], $0x40, s1, s12, $0xb8;
	[tilespmem:$0xC530] =	vst v63  }
0x1f: {  	_ =	swait.ge [sflag:s17], $0x1400  }
0x20: {  	s31 =	smul.u32 $0x280, s24;
	[sflag:s17] =	ssyncset.done $0x0  }
0x21: {  	[sflag:s17] =	ssyncadd.s32 $0xFFFFEC00  }
0x22: {  	s1 =	sshra.s32 s31, $0x2;
	_ =	swait.ge [sflag:s18], $0x1400  }
0x23: {  	s1 =	sadd.s32 $0x9E20, s1;
	[sflag:s18] =	ssyncset.done $0x0  }
0x24: {  	s28 =	simm.s32 $0x0;
	s29 =	simm.s32 $0x0;
	v2 =	vmov s1;
	[sflag:s18] =	ssyncadd.s32 $0xFFFFEC00  }
.LBB2_3:
0x25: {  	s30 =	sshll.u32 s29, $0x4;
	s0 =	simm.s32 $0x2  }
0x26: {  	v3 =	vmov s30;
	v11 =	vadd.s32 s0, v0;
	s0 =	simm.s32 $0x3  }
0x27: {  	v3 =	vshll.u32 v3, $0x6;
	v24 =	vadd.s32 s0, v0  }
0x28: {  	s1 =	simm.s32 $0x1;
	v3 =	vor.u32 v1, v3;
	v28 =	vand.u32 $0xF, v24  }
0x29: {  	v7 =	vadd.s32 s1, v0;
	v4 =	vor.u32 $0x10, v3;
	v31 =	vor.u32 v3, v28  }
0x2a: {  	v5 =	vor.u32 $0x30, v3;
	v8 =	vor.u32 v7, v4  }
0x2b: {  	v9 =	vor.u32 v7, v5;
	_ =	sdelay $0x1  }
0x2c: {  	v6 =	vor.u32 $0x20, v3  }
0x2d: {  	v16 =	vand.u32 $0xF, v11;
	v14 =	vor.u32 v11, v4;
	v33 =	vor.u32 v28, v6;
	v28 =	vld.idx.msk [tilespmem:v31+s14+$0x0], $0xffff  }
0x2e: {  	v13 =	vor.u32 v16, v6;
	v15 =	vld.idx.msk [tilespmem:v8+s13+$0x0], $0xffff  }
0x2f: {  	v17 =	vld.idx.msk [tilespmem:v9+s13+$0x0], $0xffff  }
0x30: {  	v18 =	vadd.s32 s28, v0;
	v8 =	vld.idx.msk [tilespmem:v8+s14+$0x0], $0xffff  }
0x31: {  	v21 =	vor.u32 v18, v4;
	v9 =	vld.idx.msk [tilespmem:v9+s14+$0x0], $0xffff  }
0x32: {  	v7 =	vand.u32 $0xF, v7;
	v20 =	vld.idx.msk [tilespmem:v14+s14+$0x0], $0xffff  }
0x33: {  	v10 =	vor.u32 v7, v6;
	v12 =	vld.idx.msk [tilespmem:v13+s14+$0x0], $0xffff  }
0x34: {  	v7 =	vor.u32 v3, v7;
	v13 =	vld.idx.msk [tilespmem:v13+s13+$0x0], $0xffff  }
0x35: {  	v22 =	vld.idx.msk [tilespmem:v14+s13+$0x0], $0xffff  }
0x36: {  	v32 =	vld.idx.msk [tilespmem:v21+s13+$0x0], $0xffff  }
0x37: {  	v25 =	vor.u32 v18, v5;
	v21 =	vld.idx.msk [tilespmem:v21+s14+$0x0], $0xffff  }
0x38: {  	v27 =	vor.u32 v24, v4;
	v19 =	vld.idx.msk [tilespmem:v10+s13+$0x0], $0xffff  }
0x39: {  	v26 =	vld.idx.msk [tilespmem:v7+s13+$0x0], $0xffff  }
0x3a: {  	v10 =	vld.idx.msk [tilespmem:v10+s14+$0x0], $0xffff  }
0x3b: {  	v30 =	vld.idx.msk [tilespmem:v7+s14+$0x0], $0xffff;
	v7 =	vand.u32 $0xF, v18  }
0x3c: {  	v14 =	vld.idx.msk [tilespmem:v25+s14+$0x0], $0xffff;
	v34 =	vor.u32 v7, v6  }
0x3d: {  	v39 =	vld.idx.msk [tilespmem:v27+s14+$0x0], $0xffff;
	v36 =	vor.u32 v3, v7  }
0x3e: {  	v7 =	vor.u32 v11, v5;
	v11 =	vld.idx.msk [tilespmem:v27+s13+$0x0], $0xffff;
	v29 =	vmul.bf16 v20, v22  }
0x3f: {  	v23 =	vimm.f32 $0.0e+00;
	v18 =	vld.idx.msk [tilespmem:v31+s13+$0x0], $0xffff;
	v8 =	vmul.bf16 v8, v15;
	v17 =	vmul.bf16 v9, v17  }
0x40: {  	v20 =	vor.u32 v3, v16;
	v27 =	vmul.bf16 v10, v19;
	v19 =	vld.idx.msk [tilespmem:v25+s13+$0x0], $0xffff;
	v10 =	vmul.bf16 v21, v32  }
0x41: {  	v16 =	vmul.bf16 v30, v26;
	v25 =	vor.u32 v24, v5;
	v26 =	vimm.f32 $0.0e+00;
	v35 =	vld.idx.msk [tilespmem:v34+s14+$0x0], $0xffff  }
0x42: {  	v31 =	vld.idx.msk [tilespmem:v36+s13+$0x0], $0xffff;
	v15 =	vunpack.i.u.bf16.f32 v8;
	v24 =	vunpack.i.l.bf16.f32 v8;
	v22 =	vunpack.i.l.bf16.f32 v29  }
0x43: {  	v37 =	vld.idx.msk [tilespmem:v34+s13+$0x0], $0xffff;
	v39 =	vmul.bf16 v39, v11;
	v9 =	vunpack.i.u.bf16.f32 v10;
	v10 =	vunpack.i.l.bf16.f32 v10  }
0x44: {  	v36 =	vld.idx.msk [tilespmem:v36+s14+$0x0], $0xffff;
	v11 =	vimm.f32 $0.0e+00;
	v21 =	vadd.f32 v9, v23;
	v10 =	vadd.f32 v10, v23  }
0x45: {  	v8 =	vunpack.i.u.bf16.f32 v16;
	v9 =	vunpack.i.l.bf16.f32 v16;
	v16 =	vimm.f32 $0.0e+00;
	v30 =	vld.idx.msk [tilespmem:v20+s14+$0x0], $0xffff  }
0x46: {  	v32 =	vld.idx.msk [tilespmem:v20+s13+$0x0], $0xffff;
	v20 =	vimm.f32 $0.0e+00;
	v38 =	vadd.f32 v15, v21;
	v24 =	vadd.f32 v24, v10  }
0x47: {  	s31 =	simm.s32 $0x4;
	v34 =	vld.idx.msk [tilespmem:v33+s14+$0x0], $0xffff;
	v15 =	vunpack.i.u.bf16.f32 v17;
	v21 =	vunpack.i.l.bf16.f32 v17;
	v10 =	vimm.f32 $0.0e+00  }
.LBB2_4:
0x48: {  	p0 =	slt.u32 s31, $0xC;
	v40 =	vunpack.i.u.bf16.f32 v27;
	v29 =	vunpack.i.u.bf16.f32 v29;
	v17 =	vunpack.i.l.bf16.f32 v39;
	v33 =	vld.idx.msk [tilespmem:v33+s13+$0x0], $0xffff;
	s1 =	smov.u32 s31;
	s31 =	sadd.s32 $0x4, s31  }
0x49: {  	v12 =	vmul.bf16 v12, v13;
	s0 =	sadd.s32 $0x1, s1;
	v29 =	vadd.f32 v29, v38;
	v13 =	vld.idx.msk [tilespmem:v7+s13+$0x0], $0xffff;
	v38 =	vunpack.i.u.bf16.f32 v39  }
0x4a: {  	v35 =	vmul.bf16 v35, v37;
	v27 =	vunpack.i.l.bf16.f32 v27;
	v39 =	vadd.s32 s0, v0;
	v37 =	vld.idx.msk [tilespmem:v25+s13+$0x0], $0xffff  }
0x4b: {  	v31 =	vmul.bf16 v36, v31;
	v36 =	vunpack.i.l.bf16.f32 v12;
	v41 =	vor.u32 v39, v4;
	v25 =	vld.idx.msk [tilespmem:v25+s14+$0x0], $0xffff  }
0x4c: {  	v43 =	vunpack.i.u.bf16.f32 v35;
	v44 =	vunpack.i.u.bf16.f32 v12;
	v42 =	vor.u32 v39, v5  }
0x4d: {  	v18 =	vmul.bf16 v28, v18;
	v12 =	vand.u32 $0xF, v39;
	v23 =	vadd.f32 v43, v23  }
0x4e: {  	s0 =	sadd.s32 $0x2, s1;
	v35 =	vunpack.i.l.bf16.f32 v35;
	v28 =	vor.u32 v12, v6;
	v33 =	vmul.bf16 v34, v33  }
0x4f: {  	v14 =	vmul.bf16 v14, v19;
	v34 =	vadd.s32 s0, v0;
	v19 =	vadd.f32 v40, v23;
	v23 =	vld.idx.msk [tilespmem:v7+s14+$0x0], $0xffff  }
0x50: {  	v45 =	vunpack.i.u.bf16.f32 v18;
	v40 =	vand.u32 $0xF, v34;
	v43 =	vor.u32 v34, v4;
	v39 =	vld.idx.msk [tilespmem:v41+s13+$0x0], $0xffff  }
0x51: {  	v30 =	vmul.bf16 v30, v32;
	v47 =	vor.u32 v40, v6;
	v7 =	vunpack.i.l.bf16.f32 v14;
	v46 =	vld.idx.msk [tilespmem:v42+s13+$0x0], $0xffff  }
0x52: {  	v26 =	vadd.f32 v35, v26;
	v32 =	vor.u32 v3, v12;
	v16 =	vadd.f32 v7, v16;
	v41 =	vld.idx.msk [tilespmem:v41+s14+$0x0], $0xffff  }
0x53: {  	v12 =	vunpack.i.u.bf16.f32 v14;
	s0 =	sadd.s32 $0x3, s1;
	v7 =	vor.u32 v34, v5;
	v34 =	vunpack.i.l.bf16.f32 v30;
	v35 =	vld.idx.msk [tilespmem:v28+s13+$0x0], $0xffff  }
0x54: {  	v48 =	vadd.s32 s0, v0;
	v14 =	vadd.f32 v12, v20;
	v20 =	vunpack.i.u.bf16.f32 v33;
	v42 =	vld.idx.msk [tilespmem:v42+s14+$0x0], $0xffff  }
0x55: {  	v49 =	vadd.s32 s1, v0;
	v51 =	vand.u32 $0xF, v48;
	v23 =	vmul.bf16 v23, v13;
	v50 =	vld.idx.msk [tilespmem:v43+s14+$0x0], $0xffff  }
0x56: {  	v22 =	vadd.f32 v22, v24;
	v52 =	vor.u32 v49, v4;
	v13 =	vand.u32 $0xF, v49;
	v12 =	vld.idx.msk [tilespmem:v47+s14+$0x0], $0xffff  }
0x57: {  	v38 =	vadd.f32 v38, v29;
	v24 =	vor.u32 v3, v13;
	v53 =	vor.u32 v13, v6;
	v13 =	vld.idx.msk [tilespmem:v47+s13+$0x0], $0xffff  }
0x58: {  	v16 =	vadd.f32 v21, v16;
	v47 =	vor.u32 v49, v5;
	v29 =	vld.idx.msk [tilespmem:v43+s13+$0x0], $0xffff;
	v43 =	vunpack.i.u.bf16.f32 v31  }
0x59: {  	v25 =	vmul.bf16 v25, v37;
	v49 =	vor.u32 v48, v4;
	v31 =	vunpack.i.l.bf16.f32 v31;
	v21 =	vld.idx.msk [tilespmem:v32+s13+$0x0], $0xffff  }
0x5a: {  	v54 =	vunpack.i.l.bf16.f32 v33;
	v37 =	vunpack.i.u.bf16.f32 v23;
	v23 =	vunpack.i.l.bf16.f32 v23;
	v28 =	vld.idx.msk [tilespmem:v28+s14+$0x0], $0xffff  }
0x5b: {  	v55 =	vor.u32 v3, v51;
	v15 =	vadd.f32 v15, v14;
	v56 =	vunpack.i.u.bf16.f32 v25;
	v32 =	vld.idx.msk [tilespmem:v32+s14+$0x0], $0xffff  }
0x5c: {  	v58 =	vunpack.i.l.bf16.f32 v18;
	v18 =	vunpack.i.l.bf16.f32 v25;
	v16 =	vadd.f32 v23, v16;
	v57 =	vld.idx.msk [tilespmem:v52+s13+$0x0], $0xffff  }
0x5d: {  	v23 =	vunpack.i.u.bf16.f32 v30;
	v15 =	vadd.f32 v37, v15;
	v11 =	vadd.f32 v31, v11;
	v14 =	vld.idx.msk [tilespmem:v47+s14+$0x0], $0xffff  }
0x5e: {  	v40 =	vor.u32 v3, v40;
	v10 =	vadd.f32 v43, v10;
	v16 =	vadd.f32 v18, v16;
	v30 =	vld.idx.msk [tilespmem:v52+s14+$0x0], $0xffff  }
0x5f: {  	v9 =	vadd.f32 v9, v11;
	v11 =	vadd.f32 v27, v26;
	v29 =	vmul.bf16 v50, v29;
	v43 =	vld.idx.msk [tilespmem:v49+s14+$0x0], $0xffff  }
0x60: {  	v8 =	vadd.f32 v8, v10;
	v10 =	vadd.f32 v44, v19;
	v27 =	vmul.bf16 v28, v35;
	v18 =	vld.idx.msk [tilespmem:v55+s13+$0x0], $0xffff  }
0x61: {  	v25 =	vor.u32 v48, v5;
	v11 =	vadd.f32 v36, v11;
	v21 =	vmul.bf16 v32, v21;
	v32 =	vld.idx.msk [tilespmem:v49+s13+$0x0], $0xffff  }
0x62: {  	v33 =	vor.u32 v51, v6;
	v8 =	vadd.f32 v23, v8;
	v23 =	vadd.f32 v20, v10;
	v19 =	vld.idx.msk [tilespmem:v47+s13+$0x0], $0xffff  }
0x63: {  	v39 =	vmul.bf16 v41, v39;
	v9 =	vadd.f32 v34, v9;
	v20 =	vadd.f32 v56, v15;
	v28 =	vld.idx.msk [tilespmem:v55+s14+$0x0], $0xffff  }
0x64: {  	v10 =	vadd.f32 v45, v8;
	v26 =	vadd.f32 v54, v11;
	v15 =	vmul.bf16 v30, v57;
	v35 =	vld.idx.msk [tilespmem:v53+s14+$0x0], $0xffff  }
0x65: {  	v41 =	vmul.bf16 v42, v46;
	v11 =	vadd.f32 v58, v9;
	v8 =	vadd.f32 v17, v22;
	v31 =	vld.idx.msk [tilespmem:v24+s13+$0x0], $0xffff  }
.Ltmp0:
0x66: {  	v17 =	vunpack.i.u.bf16.f32 v39;
	v9 =	vunpack.i.u.bf16.f32 v15;
	v37 =	vld.idx.msk [tilespmem:v53+s13+$0x0], $0xffff;
	(pc) =	sbr.rel @p0 .LBB2_4-.Ltmp0, $4  }
0x67: {  	v15 =	vunpack.i.l.bf16.f32 v15;
	v22 =	vadd.f32 v9, v38;
	v36 =	vld.idx.msk [tilespmem:v24+s14+$0x0], $0xffff;
	v24 =	vunpack.i.l.bf16.f32 v39  }
0x68: {  	v15 =	vadd.f32 v15, v8;
	v8 =	vunpack.i.u.bf16.f32 v21;
	v9 =	vunpack.i.l.bf16.f32 v21;
	v34 =	vld.idx.msk [tilespmem:v33+s14+$0x0], $0xffff  }
0x69: {  	v39 =	vmul.bf16 v43, v32;
	v38 =	vadd.f32 v17, v22;
	v22 =	vunpack.i.l.bf16.f32 v29;
	v30 =	vld.idx.msk [tilespmem:v40+s14+$0x0], $0xffff  }
0x6a: {  	v21 =	vunpack.i.l.bf16.f32 v41;
	v24 =	vadd.f32 v24, v15;
	v15 =	vunpack.i.u.bf16.f32 v41;
	v32 =	vld.idx.msk [tilespmem:v40+s13+$0x0], $0xffff  }
0x6b: {  	_ = 	snop  }
0x6c: {  	v3 =	vunpack.i.u.bf16.f32 v27  }
0x6d: {  	v4 =	vunpack.i.u.bf16.f32 v29;
	v5 =	vunpack.i.l.bf16.f32 v39;
	v17 =	vmul.bf16 v35, v37  }
0x6e: {  	v12 =	vmul.bf16 v12, v13;
	v39 =	vunpack.i.u.bf16.f32 v39;
	v41 =	vunpack.i.l.bf16.f32 v27  }
0x6f: {  	v6 =	vld.idx.msk [tilespmem:v33+s13+$0x0], $0xffff;
	v18 =	vmul.bf16 v28, v18;
	v14 =	vmul.bf16 v14, v19;
	v4 =	vadd.f32 v4, v38  }
0x70: {  	v40 =	vld.idx.msk [tilespmem:v7+s13+$0x0], $0xffff;
	v31 =	vmul.bf16 v36, v31;
	v50 =	vadd.f32 v22, v24;
	v42 =	vunpack.i.u.bf16.f32 v17  }
0x71: {  	v44 =	vld.idx.msk [tilespmem:v7+s14+$0x0], $0xffff;
	v43 =	vunpack.i.l.bf16.f32 v12;
	v12 =	vunpack.i.u.bf16.f32 v12;
	v17 =	vunpack.i.l.bf16.f32 v17  }
0x72: {  	v45 =	vld.idx.msk [tilespmem:v25+s13+$0x0], $0xffff;
	v47 =	vunpack.i.u.bf16.f32 v18;
	v48 =	vunpack.i.l.bf16.f32 v14;
	v23 =	vadd.f32 v42, v23  }
0x73: {  	v46 =	vld.idx.msk [tilespmem:v25+s14+$0x0], $0xffff;
	v14 =	vunpack.i.u.bf16.f32 v14;
	v17 =	vadd.f32 v17, v26;
	v16 =	vadd.f32 v48, v16  }
0x74: {  	v61 =	vunpack.i.l.bf16.f32 v18;
	v14 =	vadd.f32 v14, v20;
	v4 =	vadd.f32 v39, v4  }
0x75: {  	v51 =	vunpack.i.u.bf16.f32 v31;
	v52 =	vunpack.i.l.bf16.f32 v31;
	v5 =	vadd.f32 v5, v50  }
0x76: {  	v49 =	vmul.bf16 v30, v32;
	v10 =	vadd.f32 v51, v10;
	v11 =	vadd.f32 v52, v11  }
0x77: {  	v6 =	vmul.bf16 v34, v6;
	v3 =	vadd.f32 v3, v23;
	v7 =	vmul.bf16 v44, v40  }
0x78: {  	v16 =	vadd.f32 v21, v16;
	v19 =	vmul.bf16 v46, v45;
	v14 =	vadd.f32 v15, v14  }
0x79: {  	v58 =	vadd.f32 v41, v17;
	v56 =	vunpack.i.l.bf16.f32 v49;
	v8 =	vadd.f32 v8, v10  }
0x7a: {  	v57 =	vunpack.i.u.bf16.f32 v49;
	v9 =	vadd.f32 v9, v11;
	v53 =	vunpack.i.l.bf16.f32 v7  }
0x7b: {  	v7 =	vunpack.i.u.bf16.f32 v7;
	v3 =	vadd.f32 v12, v3;
	v60 =	vadd.f32 v43, v58  }
0x7c: {  	v59 =	vunpack.i.u.bf16.f32 v6;
	v54 =	vadd.f32 v53, v16;
	v7 =	vadd.f32 v7, v14  }
0x7d: {  	v6 =	vunpack.i.l.bf16.f32 v6;
	v8 =	vadd.f32 v57, v8;
	v9 =	vadd.f32 v56, v9  }
0x7e: {  	v55 =	vunpack.i.l.bf16.f32 v19;
	v3 =	vadd.f32 v59, v3;
	v6 =	vadd.f32 v6, v60  }
0x7f: {  	v62 =	vunpack.i.u.bf16.f32 v19;
	v13 =	vadd.f32 v55, v54;
	v8 =	vadd.f32 v47, v8  }
0x80: {  	v9 =	vadd.f32 v61, v9;
	v7 =	vadd.f32 v62, v7  }
0x81: {  	v4 =	vadd.f32 v4, v5;
	v3 =	vadd.f32 v3, v6  }
0x82: {  	s29 =	sadd.s32 $0x1, s29;
	v8 =	vadd.f32 v8, v9;
	v63 =	vadd.f32 v7, v13  }
0x83: {  	p0 =	sne.s32 s29, $0x5  }
.Ltmp1:
0x84: {  	v4 =	vadd.f32 v4, v8;
	v3 =	vadd.f32 v63, v3;
	(pc) =	sbr.rel @p0 .LBB2_3-.Ltmp1, $3  }
0x85: {  	_ = 	snop  }
0x86: {  	v3 =	vadd.f32 v3, v4;
	_ =	sdelay $0x1  }
0x87: {  	[tilespmem:v2+s30+$0x0 ss:$0x1] =	vst.idx.msk $0xffff, v3  }
0x88: {  	s0 =	sadd.s32 $0xA0, s26  }
0x89: {  	[tilespmem:s13], [sflag:$0x3] =	stream.indirect.gather [hbm4b:s3+s12], $0x40, s0, s12, $0xb8;
	[tilespmem:$0xC530] =	vst v63  }
0x8a: {  	s30 =	sadd.s32 $0x27B0, s26  }
0x8b: {  	[tilespmem:s14], [sflag:$0x5] =	stream.indirect.gather [hbm4b:s4+s12], $0x40, s30, s12, $0xb8;
	[tilespmem:$0xC530] =	vst v63  }
0x8c: {  	_ =	swait.ge [sflag:s19], $0x1400  }
0x8d: {  	[sflag:s19] =	ssyncset.done $0x0  }
0x8e: {  	[sflag:s19] =	ssyncadd.s32 $0xFFFFEC00  }
0x8f: {  	_ =	swait.ge [sflag:s20], $0x1400  }
0x90: {  	s31 =	sadd.s32 $0x9E20, s25;
	[sflag:s20] =	ssyncset.done $0x0  }
0x91: {  	s25 =	simm.s32 $0x0;
	s26 =	simm.s32 $0x0;
	v2 =	vmov s31;
	[sflag:s20] =	ssyncadd.s32 $0xFFFFEC00  }
.LBB2_7:
0x92: {  	s28 =	sshll.u32 s26, $0x4  }
0x93: {  	s31 =	simm.s32 $0x3;
	v3 =	vmov s28  }
0x94: {  	v24 =	vadd.s32 s31, v0;
	v3 =	vshll.u32 v3, $0x6  }
0x95: {  	s0 =	simm.s32 $0x1;
	v28 =	vand.u32 $0xF, v24;
	v3 =	vor.u32 v1, v3  }
0x96: {  	v7 =	vadd.s32 s0, v0;
	v4 =	vor.u32 $0x10, v3;
	v31 =	vor.u32 v3, v28  }
0x97: {  	v5 =	vor.u32 $0x30, v3;
	v8 =	vor.u32 v7, v4  }
0x98: {  	v9 =	vor.u32 v7, v5  }
0x99: {  	s30 =	simm.s32 $0x2  }
0x9a: {  	v11 =	vadd.s32 s30, v0;
	v6 =	vor.u32 $0x20, v3  }
0x9b: {  	v16 =	vand.u32 $0xF, v11;
	v14 =	vor.u32 v11, v4;
	v33 =	vor.u32 v28, v6;
	v28 =	vld.idx.msk [tilespmem:v31+s16+$0x0], $0xffff  }
0x9c: {  	v13 =	vor.u32 v16, v6;
	v15 =	vld.idx.msk [tilespmem:v8+s15+$0x0], $0xffff  }
0x9d: {  	v17 =	vld.idx.msk [tilespmem:v9+s15+$0x0], $0xffff  }
0x9e: {  	v18 =	vadd.s32 s25, v0;
	v8 =	vld.idx.msk [tilespmem:v8+s16+$0x0], $0xffff  }
0x9f: {  	v21 =	vor.u32 v18, v4;
	v9 =	vld.idx.msk [tilespmem:v9+s16+$0x0], $0xffff  }
0xa0: {  	v7 =	vand.u32 $0xF, v7;
	v20 =	vld.idx.msk [tilespmem:v14+s16+$0x0], $0xffff  }
0xa1: {  	v10 =	vor.u32 v7, v6;
	v12 =	vld.idx.msk [tilespmem:v13+s16+$0x0], $0xffff  }
0xa2: {  	v7 =	vor.u32 v3, v7;
	v13 =	vld.idx.msk [tilespmem:v13+s15+$0x0], $0xffff  }
0xa3: {  	v22 =	vld.idx.msk [tilespmem:v14+s15+$0x0], $0xffff  }
0xa4: {  	v32 =	vld.idx.msk [tilespmem:v21+s15+$0x0], $0xffff  }
0xa5: {  	v25 =	vor.u32 v18, v5;
	v21 =	vld.idx.msk [tilespmem:v21+s16+$0x0], $0xffff  }
0xa6: {  	v27 =	vor.u32 v24, v4;
	v19 =	vld.idx.msk [tilespmem:v10+s15+$0x0], $0xffff  }
0xa7: {  	v26 =	vld.idx.msk [tilespmem:v7+s15+$0x0], $0xffff  }
0xa8: {  	v10 =	vld.idx.msk [tilespmem:v10+s16+$0x0], $0xffff  }
0xa9: {  	v30 =	vld.idx.msk [tilespmem:v7+s16+$0x0], $0xffff;
	v7 =	vand.u32 $0xF, v18  }
0xaa: {  	v14 =	vld.idx.msk [tilespmem:v25+s16+$0x0], $0xffff;
	v34 =	vor.u32 v7, v6  }
0xab: {  	v39 =	vld.idx.msk [tilespmem:v27+s16+$0x0], $0xffff;
	v36 =	vor.u32 v3, v7  }
0xac: {  	v7 =	vor.u32 v11, v5;
	v11 =	vld.idx.msk [tilespmem:v27+s15+$0x0], $0xffff;
	v29 =	vmul.bf16 v20, v22  }
0xad: {  	v23 =	vimm.f32 $0.0e+00;
	v18 =	vld.idx.msk [tilespmem:v31+s15+$0x0], $0xffff;
	v8 =	vmul.bf16 v8, v15;
	v17 =	vmul.bf16 v9, v17  }
0xae: {  	v20 =	vor.u32 v3, v16;
	v27 =	vmul.bf16 v10, v19;
	v19 =	vld.idx.msk [tilespmem:v25+s15+$0x0], $0xffff;
	v10 =	vmul.bf16 v21, v32  }
0xaf: {  	v16 =	vmul.bf16 v30, v26;
	v25 =	vor.u32 v24, v5;
	v26 =	vimm.f32 $0.0e+00;
	v35 =	vld.idx.msk [tilespmem:v34+s16+$0x0], $0xffff  }
0xb0: {  	v31 =	vld.idx.msk [tilespmem:v36+s15+$0x0], $0xffff;
	v15 =	vunpack.i.u.bf16.f32 v8;
	v24 =	vunpack.i.l.bf16.f32 v8;
	v22 =	vunpack.i.l.bf16.f32 v29  }
0xb1: {  	v37 =	vld.idx.msk [tilespmem:v34+s15+$0x0], $0xffff;
	v39 =	vmul.bf16 v39, v11;
	v9 =	vunpack.i.u.bf16.f32 v10;
	v10 =	vunpack.i.l.bf16.f32 v10  }
0xb2: {  	v36 =	vld.idx.msk [tilespmem:v36+s16+$0x0], $0xffff;
	v11 =	vimm.f32 $0.0e+00;
	v21 =	vadd.f32 v9, v23;
	v10 =	vadd.f32 v10, v23  }
0xb3: {  	v8 =	vunpack.i.u.bf16.f32 v16;
	v9 =	vunpack.i.l.bf16.f32 v16;
	v16 =	vimm.f32 $0.0e+00;
	v30 =	vld.idx.msk [tilespmem:v20+s16+$0x0], $0xffff  }
0xb4: {  	v32 =	vld.idx.msk [tilespmem:v20+s15+$0x0], $0xffff;
	v20 =	vimm.f32 $0.0e+00;
	v38 =	vadd.f32 v15, v21;
	v24 =	vadd.f32 v24, v10  }
0xb5: {  	s29 =	simm.s32 $0x4;
	v34 =	vld.idx.msk [tilespmem:v33+s16+$0x0], $0xffff;
	v15 =	vunpack.i.u.bf16.f32 v17;
	v21 =	vunpack.i.l.bf16.f32 v17;
	v10 =	vimm.f32 $0.0e+00  }
.LBB2_8:
0xb6: {  	p0 =	slt.u32 s29, $0xC;
	v40 =	vunpack.i.u.bf16.f32 v27;
	v29 =	vunpack.i.u.bf16.f32 v29;
	v17 =	vunpack.i.l.bf16.f32 v39;
	v33 =	vld.idx.msk [tilespmem:v33+s15+$0x0], $0xffff;
	s1 =	smov.u32 s29;
	s29 =	sadd.s32 $0x4, s29  }
0xb7: {  	v12 =	vmul.bf16 v12, v13;
	s0 =	sadd.s32 $0x1, s1;
	v29 =	vadd.f32 v29, v38;
	v13 =	vld.idx.msk [tilespmem:v7+s15+$0x0], $0xffff;
	v38 =	vunpack.i.u.bf16.f32 v39  }
0xb8: {  	v35 =	vmul.bf16 v35, v37;
	v27 =	vunpack.i.l.bf16.f32 v27;
	v39 =	vadd.s32 s0, v0;
	v37 =	vld.idx.msk [tilespmem:v25+s15+$0x0], $0xffff  }
0xb9: {  	v31 =	vmul.bf16 v36, v31;
	v36 =	vunpack.i.l.bf16.f32 v12;
	v41 =	vor.u32 v39, v4;
	v25 =	vld.idx.msk [tilespmem:v25+s16+$0x0], $0xffff  }
0xba: {  	v43 =	vunpack.i.u.bf16.f32 v35;
	v44 =	vunpack.i.u.bf16.f32 v12;
	v42 =	vor.u32 v39, v5  }
0xbb: {  	v18 =	vmul.bf16 v28, v18;
	v12 =	vand.u32 $0xF, v39;
	v23 =	vadd.f32 v43, v23  }
0xbc: {  	s0 =	sadd.s32 $0x2, s1;
	v35 =	vunpack.i.l.bf16.f32 v35;
	v28 =	vor.u32 v12, v6;
	v33 =	vmul.bf16 v34, v33  }
0xbd: {  	v14 =	vmul.bf16 v14, v19;
	v34 =	vadd.s32 s0, v0;
	v19 =	vadd.f32 v40, v23;
	v23 =	vld.idx.msk [tilespmem:v7+s16+$0x0], $0xffff  }
0xbe: {  	v45 =	vunpack.i.u.bf16.f32 v18;
	v40 =	vand.u32 $0xF, v34;
	v43 =	vor.u32 v34, v4;
	v39 =	vld.idx.msk [tilespmem:v41+s15+$0x0], $0xffff  }
0xbf: {  	v30 =	vmul.bf16 v30, v32;
	v47 =	vor.u32 v40, v6;
	v7 =	vunpack.i.l.bf16.f32 v14;
	v46 =	vld.idx.msk [tilespmem:v42+s15+$0x0], $0xffff  }
0xc0: {  	v26 =	vadd.f32 v35, v26;
	v32 =	vor.u32 v3, v12;
	v16 =	vadd.f32 v7, v16;
	v41 =	vld.idx.msk [tilespmem:v41+s16+$0x0], $0xffff  }
0xc1: {  	v12 =	vunpack.i.u.bf16.f32 v14;
	s0 =	sadd.s32 $0x3, s1;
	v7 =	vor.u32 v34, v5;
	v34 =	vunpack.i.l.bf16.f32 v30;
	v35 =	vld.idx.msk [tilespmem:v28+s15+$0x0], $0xffff  }
0xc2: {  	v48 =	vadd.s32 s0, v0;
	v14 =	vadd.f32 v12, v20;
	v20 =	vunpack.i.u.bf16.f32 v33;
	v42 =	vld.idx.msk [tilespmem:v42+s16+$0x0], $0xffff  }
0xc3: {  	v49 =	vadd.s32 s1, v0;
	v51 =	vand.u32 $0xF, v48;
	v23 =	vmul.bf16 v23, v13;
	v50 =	vld.idx.msk [tilespmem:v43+s16+$0x0], $0xffff  }
0xc4: {  	v22 =	vadd.f32 v22, v24;
	v52 =	vor.u32 v49, v4;
	v13 =	vand.u32 $0xF, v49;
	v12 =	vld.idx.msk [tilespmem:v47+s16+$0x0], $0xffff  }
0xc5: {  	v38 =	vadd.f32 v38, v29;
	v24 =	vor.u32 v3, v13;
	v53 =	vor.u32 v13, v6;
	v13 =	vld.idx.msk [tilespmem:v47+s15+$0x0], $0xffff  }
0xc6: {  	v16 =	vadd.f32 v21, v16;
	v47 =	vor.u32 v49, v5;
	v29 =	vld.idx.msk [tilespmem:v43+s15+$0x0], $0xffff;
	v43 =	vunpack.i.u.bf16.f32 v31  }
0xc7: {  	v25 =	vmul.bf16 v25, v37;
	v49 =	vor.u32 v48, v4;
	v31 =	vunpack.i.l.bf16.f32 v31;
	v21 =	vld.idx.msk [tilespmem:v32+s15+$0x0], $0xffff  }
0xc8: {  	v54 =	vunpack.i.l.bf16.f32 v33;
	v37 =	vunpack.i.u.bf16.f32 v23;
	v23 =	vunpack.i.l.bf16.f32 v23;
	v28 =	vld.idx.msk [tilespmem:v28+s16+$0x0], $0xffff  }
0xc9: {  	v55 =	vor.u32 v3, v51;
	v15 =	vadd.f32 v15, v14;
	v56 =	vunpack.i.u.bf16.f32 v25;
	v32 =	vld.idx.msk [tilespmem:v32+s16+$0x0], $0xffff  }
0xca: {  	v58 =	vunpack.i.l.bf16.f32 v18;
	v18 =	vunpack.i.l.bf16.f32 v25;
	v16 =	vadd.f32 v23, v16;
	v57 =	vld.idx.msk [tilespmem:v52+s15+$0x0], $0xffff  }
0xcb: {  	v23 =	vunpack.i.u.bf16.f32 v30;
	v15 =	vadd.f32 v37, v15;
	v11 =	vadd.f32 v31, v11;
	v14 =	vld.idx.msk [tilespmem:v47+s16+$0x0], $0xffff  }
0xcc: {  	v40 =	vor.u32 v3, v40;
	v10 =	vadd.f32 v43, v10;
	v16 =	vadd.f32 v18, v16;
	v30 =	vld.idx.msk [tilespmem:v52+s16+$0x0], $0xffff  }
0xcd: {  	v9 =	vadd.f32 v9, v11;
	v11 =	vadd.f32 v27, v26;
	v29 =	vmul.bf16 v50, v29;
	v43 =	vld.idx.msk [tilespmem:v49+s16+$0x0], $0xffff  }
0xce: {  	v8 =	vadd.f32 v8, v10;
	v10 =	vadd.f32 v44, v19;
	v27 =	vmul.bf16 v28, v35;
	v18 =	vld.idx.msk [tilespmem:v55+s15+$0x0], $0xffff  }
0xcf: {  	v25 =	vor.u32 v48, v5;
	v11 =	vadd.f32 v36, v11;
	v21 =	vmul.bf16 v32, v21;
	v32 =	vld.idx.msk [tilespmem:v49+s15+$0x0], $0xffff  }
0xd0: {  	v33 =	vor.u32 v51, v6;
	v8 =	vadd.f32 v23, v8;
	v23 =	vadd.f32 v20, v10;
	v19 =	vld.idx.msk [tilespmem:v47+s15+$0x0], $0xffff  }
0xd1: {  	v39 =	vmul.bf16 v41, v39;
	v9 =	vadd.f32 v34, v9;
	v20 =	vadd.f32 v56, v15;
	v28 =	vld.idx.msk [tilespmem:v55+s16+$0x0], $0xffff  }
0xd2: {  	v10 =	vadd.f32 v45, v8;
	v26 =	vadd.f32 v54, v11;
	v15 =	vmul.bf16 v30, v57;
	v35 =	vld.idx.msk [tilespmem:v53+s16+$0x0], $0xffff  }
0xd3: {  	v41 =	vmul.bf16 v42, v46;
	v11 =	vadd.f32 v58, v9;
	v8 =	vadd.f32 v17, v22;
	v31 =	vld.idx.msk [tilespmem:v24+s15+$0x0], $0xffff  }
.Ltmp2:
0xd4: {  	v17 =	vunpack.i.u.bf16.f32 v39;
	v9 =	vunpack.i.u.bf16.f32 v15;
	v37 =	vld.idx.msk [tilespmem:v53+s15+$0x0], $0xffff;
	(pc) =	sbr.rel @p0 .LBB2_8-.Ltmp2, $4  }
0xd5: {  	v15 =	vunpack.i.l.bf16.f32 v15;
	v22 =	vadd.f32 v9, v38;
	v36 =	vld.idx.msk [tilespmem:v24+s16+$0x0], $0xffff;
	v24 =	vunpack.i.l.bf16.f32 v39  }
0xd6: {  	v15 =	vadd.f32 v15, v8;
	v8 =	vunpack.i.u.bf16.f32 v21;
	v9 =	vunpack.i.l.bf16.f32 v21;
	v34 =	vld.idx.msk [tilespmem:v33+s16+$0x0], $0xffff  }
0xd7: {  	v39 =	vmul.bf16 v43, v32;
	v38 =	vadd.f32 v17, v22;
	v22 =	vunpack.i.l.bf16.f32 v29;
	v30 =	vld.idx.msk [tilespmem:v40+s16+$0x0], $0xffff  }
0xd8: {  	v21 =	vunpack.i.l.bf16.f32 v41;
	v24 =	vadd.f32 v24, v15;
	v15 =	vunpack.i.u.bf16.f32 v41;
	v32 =	vld.idx.msk [tilespmem:v40+s15+$0x0], $0xffff  }
0xd9: {  	_ = 	snop  }
0xda: {  	v3 =	vunpack.i.u.bf16.f32 v27  }
0xdb: {  	v4 =	vunpack.i.u.bf16.f32 v29;
	v5 =	vunpack.i.l.bf16.f32 v39;
	v17 =	vmul.bf16 v35, v37  }
0xdc: {  	v12 =	vmul.bf16 v12, v13;
	v39 =	vunpack.i.u.bf16.f32 v39;
	v41 =	vunpack.i.l.bf16.f32 v27  }
0xdd: {  	v6 =	vld.idx.msk [tilespmem:v33+s15+$0x0], $0xffff;
	v18 =	vmul.bf16 v28, v18;
	v14 =	vmul.bf16 v14, v19;
	v4 =	vadd.f32 v4, v38  }
0xde: {  	v40 =	vld.idx.msk [tilespmem:v7+s15+$0x0], $0xffff;
	v31 =	vmul.bf16 v36, v31;
	v50 =	vadd.f32 v22, v24;
	v42 =	vunpack.i.u.bf16.f32 v17  }
0xdf: {  	v44 =	vld.idx.msk [tilespmem:v7+s16+$0x0], $0xffff;
	v43 =	vunpack.i.l.bf16.f32 v12;
	v12 =	vunpack.i.u.bf16.f32 v12;
	v17 =	vunpack.i.l.bf16.f32 v17  }
0xe0: {  	v45 =	vld.idx.msk [tilespmem:v25+s15+$0x0], $0xffff;
	v47 =	vunpack.i.u.bf16.f32 v18;
	v48 =	vunpack.i.l.bf16.f32 v14;
	v23 =	vadd.f32 v42, v23  }
0xe1: {  	v46 =	vld.idx.msk [tilespmem:v25+s16+$0x0], $0xffff;
	v14 =	vunpack.i.u.bf16.f32 v14;
	v17 =	vadd.f32 v17, v26;
	v16 =	vadd.f32 v48, v16  }
0xe2: {  	v61 =	vunpack.i.l.bf16.f32 v18;
	v14 =	vadd.f32 v14, v20;
	v4 =	vadd.f32 v39, v4  }
0xe3: {  	v51 =	vunpack.i.u.bf16.f32 v31;
	v52 =	vunpack.i.l.bf16.f32 v31;
	v5 =	vadd.f32 v5, v50  }
0xe4: {  	v49 =	vmul.bf16 v30, v32;
	v10 =	vadd.f32 v51, v10;
	v11 =	vadd.f32 v52, v11  }
0xe5: {  	v6 =	vmul.bf16 v34, v6;
	v3 =	vadd.f32 v3, v23;
	v7 =	vmul.bf16 v44, v40  }
0xe6: {  	v16 =	vadd.f32 v21, v16;
	v19 =	vmul.bf16 v46, v45;
	v14 =	vadd.f32 v15, v14  }
0xe7: {  	v58 =	vadd.f32 v41, v17;
	v56 =	vunpack.i.l.bf16.f32 v49;
	v8 =	vadd.f32 v8, v10  }
0xe8: {  	v57 =	vunpack.i.u.bf16.f32 v49;
	v9 =	vadd.f32 v9, v11;
	v53 =	vunpack.i.l.bf16.f32 v7  }
0xe9: {  	v7 =	vunpack.i.u.bf16.f32 v7;
	v3 =	vadd.f32 v12, v3;
	v60 =	vadd.f32 v43, v58  }
0xea: {  	v59 =	vunpack.i.u.bf16.f32 v6;
	v54 =	vadd.f32 v53, v16;
	v7 =	vadd.f32 v7, v14  }
0xeb: {  	v6 =	vunpack.i.l.bf16.f32 v6;
	v8 =	vadd.f32 v57, v8;
	v9 =	vadd.f32 v56, v9  }
0xec: {  	v55 =	vunpack.i.l.bf16.f32 v19;
	v3 =	vadd.f32 v59, v3;
	v6 =	vadd.f32 v6, v60  }
0xed: {  	v62 =	vunpack.i.u.bf16.f32 v19;
	v13 =	vadd.f32 v55, v54;
	v8 =	vadd.f32 v47, v8  }
0xee: {  	v9 =	vadd.f32 v61, v9;
	v7 =	vadd.f32 v62, v7  }
0xef: {  	v4 =	vadd.f32 v4, v5;
	v3 =	vadd.f32 v3, v6  }
0xf0: {  	s26 =	sadd.s32 $0x1, s26;
	v8 =	vadd.f32 v8, v9;
	v63 =	vadd.f32 v7, v13  }
0xf1: {  	p0 =	sne.s32 s26, $0x5  }
.Ltmp3:
0xf2: {  	v4 =	vadd.f32 v4, v8;
	v3 =	vadd.f32 v63, v3;
	(pc) =	sbr.rel @p0 .LBB2_7-.Ltmp3, $3  }
0xf3: {  	_ = 	snop  }
0xf4: {  	v3 =	vadd.f32 v3, v4;
	_ =	sdelay $0x1  }
0xf5: {  	[tilespmem:v2+s28+$0x0 ss:$0x1] =	vst.idx.msk $0xffff, v3  }
0xf6: {  	s24 =	sadd.s32 $0x1, s24  }
0xf7: {  	p0 =	sne.s32 s24, $0x3E  }
.Ltmp4:
0xf8: {  	_ = 	snop;
	(pc) =	sbr.rel @p0 .LBB2_2-.Ltmp4, $1  }
0xf9: {  	_ =	sdelay $0x3  }
0xfa: {  	_ =	swait.ge [sflag:s17], $0x1400  }
0xfb: {  	[sflag:s17] =	ssyncset.done $0x0  }
0xfc: {  	[sflag:s17] =	ssyncadd.s32 $0xFFFFEC00  }
0xfd: {  	_ =	swait.ge [sflag:s18], $0x1400  }
0xfe: {  	[sflag:s18] =	ssyncset.done $0x0  }
0xff: {  	s24 =	simm.s32 $0x0;
	s25 =	simm.s32 $0x0;
	[sflag:s18] =	ssyncadd.s32 $0xFFFFEC00  }
.LBB2_12:
0x100: {  	s26 =	sshll.u32 s25, $0x4  }
0x101: {  	s31 =	simm.s32 $0x3;
	v2 =	vmov s26  }
0x102: {  	v23 =	vadd.s32 s31, v0;
	v2 =	vshll.u32 v2, $0x6  }
0x103: {  	s0 =	simm.s32 $0x1;
	v27 =	vand.u32 $0xF, v23;
	v2 =	vor.u32 v1, v2  }
0x104: {  	v6 =	vadd.s32 s0, v0;
	v3 =	vor.u32 $0x10, v2;
	v30 =	vor.u32 v2, v27  }
0x105: {  	v4 =	vor.u32 $0x30, v2;
	v7 =	vor.u32 v6, v3  }
0x106: {  	v8 =	vor.u32 v6, v4  }
0x107: {  	s30 =	simm.s32 $0x2  }
0x108: {  	v10 =	vadd.s32 s30, v0;
	v5 =	vor.u32 $0x20, v2  }
0x109: {  	v15 =	vand.u32 $0xF, v10;
	v13 =	vor.u32 v10, v3;
	v32 =	vor.u32 v27, v5;
	v27 =	vld.idx.msk [tilespmem:v30+s14+$0x0], $0xffff  }
0x10a: {  	v12 =	vor.u32 v15, v5;
	v14 =	vld.idx.msk [tilespmem:v7+s13+$0x0], $0xffff  }
0x10b: {  	v16 =	vld.idx.msk [tilespmem:v8+s13+$0x0], $0xffff  }
0x10c: {  	v17 =	vadd.s32 s24, v0;
	v7 =	vld.idx.msk [tilespmem:v7+s14+$0x0], $0xffff  }
0x10d: {  	v20 =	vor.u32 v17, v3;
	v8 =	vld.idx.msk [tilespmem:v8+s14+$0x0], $0xffff  }
0x10e: {  	v6 =	vand.u32 $0xF, v6;
	v19 =	vld.idx.msk [tilespmem:v13+s14+$0x0], $0xffff  }
0x10f: {  	v9 =	vor.u32 v6, v5;
	v11 =	vld.idx.msk [tilespmem:v12+s14+$0x0], $0xffff  }
0x110: {  	v6 =	vor.u32 v2, v6;
	v12 =	vld.idx.msk [tilespmem:v12+s13+$0x0], $0xffff  }
0x111: {  	v21 =	vld.idx.msk [tilespmem:v13+s13+$0x0], $0xffff  }
0x112: {  	v31 =	vld.idx.msk [tilespmem:v20+s13+$0x0], $0xffff  }
0x113: {  	v24 =	vor.u32 v17, v4;
	v20 =	vld.idx.msk [tilespmem:v20+s14+$0x0], $0xffff  }
0x114: {  	v26 =	vor.u32 v23, v3;
	v18 =	vld.idx.msk [tilespmem:v9+s13+$0x0], $0xffff  }
0x115: {  	v25 =	vld.idx.msk [tilespmem:v6+s13+$0x0], $0xffff  }
0x116: {  	v9 =	vld.idx.msk [tilespmem:v9+s14+$0x0], $0xffff  }
0x117: {  	v29 =	vld.idx.msk [tilespmem:v6+s14+$0x0], $0xffff;
	v6 =	vand.u32 $0xF, v17  }
0x118: {  	v13 =	vld.idx.msk [tilespmem:v24+s14+$0x0], $0xffff;
	v33 =	vor.u32 v6, v5  }
0x119: {  	v38 =	vld.idx.msk [tilespmem:v26+s14+$0x0], $0xffff;
	v35 =	vor.u32 v2, v6  }
0x11a: {  	v6 =	vor.u32 v10, v4;
	v10 =	vld.idx.msk [tilespmem:v26+s13+$0x0], $0xffff;
	v28 =	vmul.bf16 v19, v21  }
0x11b: {  	v22 =	vimm.f32 $0.0e+00;
	v17 =	vld.idx.msk [tilespmem:v30+s13+$0x0], $0xffff;
	v7 =	vmul.bf16 v7, v14;
	v16 =	vmul.bf16 v8, v16  }
0x11c: {  	v19 =	vor.u32 v2, v15;
	v26 =	vmul.bf16 v9, v18;
	v18 =	vld.idx.msk [tilespmem:v24+s13+$0x0], $0xffff;
	v9 =	vmul.bf16 v20, v31  }
0x11d: {  	v15 =	vmul.bf16 v29, v25;
	v24 =	vor.u32 v23, v4;
	v25 =	vimm.f32 $0.0e+00;
	v34 =	vld.idx.msk [tilespmem:v33+s14+$0x0], $0xffff  }
0x11e: {  	v30 =	vld.idx.msk [tilespmem:v35+s13+$0x0], $0xffff;
	v14 =	vunpack.i.u.bf16.f32 v7;
	v23 =	vunpack.i.l.bf16.f32 v7;
	v21 =	vunpack.i.l.bf16.f32 v28  }
0x11f: {  	v36 =	vld.idx.msk [tilespmem:v33+s13+$0x0], $0xffff;
	v38 =	vmul.bf16 v38, v10;
	v8 =	vunpack.i.u.bf16.f32 v9;
	v9 =	vunpack.i.l.bf16.f32 v9  }
0x120: {  	v35 =	vld.idx.msk [tilespmem:v35+s14+$0x0], $0xffff;
	v10 =	vimm.f32 $0.0e+00;
	v20 =	vadd.f32 v8, v22;
	v9 =	vadd.f32 v9, v22  }
0x121: {  	v7 =	vunpack.i.u.bf16.f32 v15;
	v8 =	vunpack.i.l.bf16.f32 v15;
	v15 =	vimm.f32 $0.0e+00;
	v29 =	vld.idx.msk [tilespmem:v19+s14+$0x0], $0xffff  }
0x122: {  	v31 =	vld.idx.msk [tilespmem:v19+s13+$0x0], $0xffff;
	v19 =	vimm.f32 $0.0e+00;
	v37 =	vadd.f32 v14, v20;
	v23 =	vadd.f32 v23, v9  }
0x123: {  	s28 =	simm.s32 $0x4;
	v33 =	vld.idx.msk [tilespmem:v32+s14+$0x0], $0xffff;
	v14 =	vunpack.i.u.bf16.f32 v16;
	v20 =	vunpack.i.l.bf16.f32 v16;
	v9 =	vimm.f32 $0.0e+00  }
.LBB2_13:
0x124: {  	p0 =	slt.u32 s28, $0xC;
	v39 =	vunpack.i.u.bf16.f32 v26;
	v28 =	vunpack.i.u.bf16.f32 v28;
	v16 =	vunpack.i.l.bf16.f32 v38;
	v32 =	vld.idx.msk [tilespmem:v32+s13+$0x0], $0xffff;
	s1 =	smov.u32 s28;
	s28 =	sadd.s32 $0x4, s28  }
0x125: {  	v11 =	vmul.bf16 v11, v12;
	s0 =	sadd.s32 $0x1, s1;
	v28 =	vadd.f32 v28, v37;
	v12 =	vld.idx.msk [tilespmem:v6+s13+$0x0], $0xffff;
	v37 =	vunpack.i.u.bf16.f32 v38  }
0x126: {  	v34 =	vmul.bf16 v34, v36;
	v26 =	vunpack.i.l.bf16.f32 v26;
	v38 =	vadd.s32 s0, v0;
	v36 =	vld.idx.msk [tilespmem:v24+s13+$0x0], $0xffff  }
0x127: {  	v30 =	vmul.bf16 v35, v30;
	v35 =	vunpack.i.l.bf16.f32 v11;
	v40 =	vor.u32 v38, v3;
	v24 =	vld.idx.msk [tilespmem:v24+s14+$0x0], $0xffff  }
0x128: {  	v42 =	vunpack.i.u.bf16.f32 v34;
	v43 =	vunpack.i.u.bf16.f32 v11;
	v41 =	vor.u32 v38, v4  }
0x129: {  	v17 =	vmul.bf16 v27, v17;
	v11 =	vand.u32 $0xF, v38;
	v22 =	vadd.f32 v42, v22  }
0x12a: {  	s0 =	sadd.s32 $0x2, s1;
	v34 =	vunpack.i.l.bf16.f32 v34;
	v27 =	vor.u32 v11, v5;
	v32 =	vmul.bf16 v33, v32  }
0x12b: {  	v13 =	vmul.bf16 v13, v18;
	v33 =	vadd.s32 s0, v0;
	v18 =	vadd.f32 v39, v22;
	v22 =	vld.idx.msk [tilespmem:v6+s14+$0x0], $0xffff  }
0x12c: {  	v44 =	vunpack.i.u.bf16.f32 v17;
	v39 =	vand.u32 $0xF, v33;
	v42 =	vor.u32 v33, v3;
	v38 =	vld.idx.msk [tilespmem:v40+s13+$0x0], $0xffff  }
0x12d: {  	v29 =	vmul.bf16 v29, v31;
	v46 =	vor.u32 v39, v5;
	v6 =	vunpack.i.l.bf16.f32 v13;
	v45 =	vld.idx.msk [tilespmem:v41+s13+$0x0], $0xffff  }
0x12e: {  	v25 =	vadd.f32 v34, v25;
	v31 =	vor.u32 v2, v11;
	v15 =	vadd.f32 v6, v15;
	v40 =	vld.idx.msk [tilespmem:v40+s14+$0x0], $0xffff  }
0x12f: {  	v11 =	vunpack.i.u.bf16.f32 v13;
	s0 =	sadd.s32 $0x3, s1;
	v6 =	vor.u32 v33, v4;
	v33 =	vunpack.i.l.bf16.f32 v29;
	v34 =	vld.idx.msk [tilespmem:v27+s13+$0x0], $0xffff  }
0x130: {  	v47 =	vadd.s32 s0, v0;
	v13 =	vadd.f32 v11, v19;
	v19 =	vunpack.i.u.bf16.f32 v32;
	v41 =	vld.idx.msk [tilespmem:v41+s14+$0x0], $0xffff  }
0x131: {  	v48 =	vadd.s32 s1, v0;
	v50 =	vand.u32 $0xF, v47;
	v22 =	vmul.bf16 v22, v12;
	v49 =	vld.idx.msk [tilespmem:v42+s14+$0x0], $0xffff  }
0x132: {  	v21 =	vadd.f32 v21, v23;
	v51 =	vor.u32 v48, v3;
	v12 =	vand.u32 $0xF, v48;
	v11 =	vld.idx.msk [tilespmem:v46+s14+$0x0], $0xffff  }
0x133: {  	v37 =	vadd.f32 v37, v28;
	v23 =	vor.u32 v2, v12;
	v52 =	vor.u32 v12, v5;
	v12 =	vld.idx.msk [tilespmem:v46+s13+$0x0], $0xffff  }
0x134: {  	v15 =	vadd.f32 v20, v15;
	v46 =	vor.u32 v48, v4;
	v28 =	vld.idx.msk [tilespmem:v42+s13+$0x0], $0xffff;
	v42 =	vunpack.i.u.bf16.f32 v30  }
0x135: {  	v24 =	vmul.bf16 v24, v36;
	v48 =	vor.u32 v47, v3;
	v30 =	vunpack.i.l.bf16.f32 v30;
	v20 =	vld.idx.msk [tilespmem:v31+s13+$0x0], $0xffff  }
0x136: {  	v53 =	vunpack.i.l.bf16.f32 v32;
	v36 =	vunpack.i.u.bf16.f32 v22;
	v22 =	vunpack.i.l.bf16.f32 v22;
	v27 =	vld.idx.msk [tilespmem:v27+s14+$0x0], $0xffff  }
0x137: {  	v54 =	vor.u32 v2, v50;
	v14 =	vadd.f32 v14, v13;
	v55 =	vunpack.i.u.bf16.f32 v24;
	v31 =	vld.idx.msk [tilespmem:v31+s14+$0x0], $0xffff  }
0x138: {  	v57 =	vunpack.i.l.bf16.f32 v17;
	v17 =	vunpack.i.l.bf16.f32 v24;
	v15 =	vadd.f32 v22, v15;
	v56 =	vld.idx.msk [tilespmem:v51+s13+$0x0], $0xffff  }
0x139: {  	v22 =	vunpack.i.u.bf16.f32 v29;
	v14 =	vadd.f32 v36, v14;
	v10 =	vadd.f32 v30, v10;
	v13 =	vld.idx.msk [tilespmem:v46+s14+$0x0], $0xffff  }
0x13a: {  	v39 =	vor.u32 v2, v39;
	v9 =	vadd.f32 v42, v9;
	v15 =	vadd.f32 v17, v15;
	v29 =	vld.idx.msk [tilespmem:v51+s14+$0x0], $0xffff  }
0x13b: {  	v8 =	vadd.f32 v8, v10;
	v10 =	vadd.f32 v26, v25;
	v28 =	vmul.bf16 v49, v28;
	v42 =	vld.idx.msk [tilespmem:v48+s14+$0x0], $0xffff  }
0x13c: {  	v7 =	vadd.f32 v7, v9;
	v9 =	vadd.f32 v43, v18;
	v26 =	vmul.bf16 v27, v34;
	v17 =	vld.idx.msk [tilespmem:v54+s13+$0x0], $0xffff  }
0x13d: {  	v24 =	vor.u32 v47, v4;
	v10 =	vadd.f32 v35, v10;
	v20 =	vmul.bf16 v31, v20;
	v31 =	vld.idx.msk [tilespmem:v48+s13+$0x0], $0xffff  }
0x13e: {  	v32 =	vor.u32 v50, v5;
	v7 =	vadd.f32 v22, v7;
	v22 =	vadd.f32 v19, v9;
	v18 =	vld.idx.msk [tilespmem:v46+s13+$0x0], $0xffff  }
0x13f: {  	v38 =	vmul.bf16 v40, v38;
	v8 =	vadd.f32 v33, v8;
	v19 =	vadd.f32 v55, v14;
	v27 =	vld.idx.msk [tilespmem:v54+s14+$0x0], $0xffff  }
0x140: {  	v9 =	vadd.f32 v44, v7;
	v25 =	vadd.f32 v53, v10;
	v14 =	vmul.bf16 v29, v56;
	v34 =	vld.idx.msk [tilespmem:v52+s14+$0x0], $0xffff  }
0x141: {  	v40 =	vmul.bf16 v41, v45;
	v10 =	vadd.f32 v57, v8;
	v7 =	vadd.f32 v16, v21;
	v30 =	vld.idx.msk [tilespmem:v23+s13+$0x0], $0xffff  }
.Ltmp5:
0x142: {  	v16 =	vunpack.i.u.bf16.f32 v38;
	v8 =	vunpack.i.u.bf16.f32 v14;
	v36 =	vld.idx.msk [tilespmem:v52+s13+$0x0], $0xffff;
	(pc) =	sbr.rel @p0 .LBB2_13-.Ltmp5, $4  }
0x143: {  	v14 =	vunpack.i.l.bf16.f32 v14;
	v21 =	vadd.f32 v8, v37;
	v35 =	vld.idx.msk [tilespmem:v23+s14+$0x0], $0xffff;
	v23 =	vunpack.i.l.bf16.f32 v38  }
0x144: {  	v14 =	vadd.f32 v14, v7;
	v7 =	vunpack.i.u.bf16.f32 v20;
	v8 =	vunpack.i.l.bf16.f32 v20;
	v33 =	vld.idx.msk [tilespmem:v32+s14+$0x0], $0xffff  }
0x145: {  	v38 =	vmul.bf16 v42, v31;
	v37 =	vadd.f32 v16, v21;
	v21 =	vunpack.i.l.bf16.f32 v28;
	v29 =	vld.idx.msk [tilespmem:v39+s14+$0x0], $0xffff  }
0x146: {  	v20 =	vunpack.i.l.bf16.f32 v40;
	v23 =	vadd.f32 v23, v14;
	v14 =	vunpack.i.u.bf16.f32 v40;
	v31 =	vld.idx.msk [tilespmem:v39+s13+$0x0], $0xffff  }
0x147: {  	_ = 	snop  }
0x148: {  	v2 =	vunpack.i.u.bf16.f32 v26  }
0x149: {  	v3 =	vunpack.i.u.bf16.f32 v28;
	v4 =	vunpack.i.l.bf16.f32 v38;
	v16 =	vmul.bf16 v34, v36  }
0x14a: {  	v11 =	vmul.bf16 v11, v12;
	v39 =	vunpack.i.u.bf16.f32 v38;
	v41 =	vunpack.i.l.bf16.f32 v26  }
0x14b: {  	v5 =	vld.idx.msk [tilespmem:v32+s13+$0x0], $0xffff;
	v17 =	vmul.bf16 v27, v17;
	v13 =	vmul.bf16 v13, v18;
	v3 =	vadd.f32 v3, v37  }
0x14c: {  	v40 =	vld.idx.msk [tilespmem:v6+s13+$0x0], $0xffff;
	v30 =	vmul.bf16 v35, v30;
	v50 =	vadd.f32 v21, v23;
	v42 =	vunpack.i.u.bf16.f32 v16  }
0x14d: {  	v44 =	vld.idx.msk [tilespmem:v6+s14+$0x0], $0xffff;
	v43 =	vunpack.i.l.bf16.f32 v11;
	v11 =	vunpack.i.u.bf16.f32 v11;
	v16 =	vunpack.i.l.bf16.f32 v16  }
0x14e: {  	v45 =	vld.idx.msk [tilespmem:v24+s13+$0x0], $0xffff;
	v47 =	vunpack.i.u.bf16.f32 v17;
	v48 =	vunpack.i.l.bf16.f32 v13;
	v22 =	vadd.f32 v42, v22  }
0x14f: {  	v46 =	vld.idx.msk [tilespmem:v24+s14+$0x0], $0xffff;
	v13 =	vunpack.i.u.bf16.f32 v13;
	v16 =	vadd.f32 v16, v25;
	v15 =	vadd.f32 v48, v15  }
0x150: {  	v61 =	vunpack.i.l.bf16.f32 v17;
	v13 =	vadd.f32 v13, v19;
	v3 =	vadd.f32 v39, v3  }
0x151: {  	v51 =	vunpack.i.u.bf16.f32 v30;
	v52 =	vunpack.i.l.bf16.f32 v30;
	v4 =	vadd.f32 v4, v50  }
0x152: {  	v49 =	vmul.bf16 v29, v31;
	v9 =	vadd.f32 v51, v9;
	v10 =	vadd.f32 v52, v10  }
0x153: {  	v5 =	vmul.bf16 v33, v5;
	v2 =	vadd.f32 v2, v22;
	v6 =	vmul.bf16 v44, v40  }
0x154: {  	v15 =	vadd.f32 v20, v15;
	v18 =	vmul.bf16 v46, v45;
	v13 =	vadd.f32 v14, v13  }
0x155: {  	v58 =	vadd.f32 v41, v16;
	v56 =	vunpack.i.l.bf16.f32 v49;
	v7 =	vadd.f32 v7, v9  }
0x156: {  	v57 =	vunpack.i.u.bf16.f32 v49;
	v8 =	vadd.f32 v8, v10;
	v53 =	vunpack.i.l.bf16.f32 v6  }
0x157: {  	v6 =	vunpack.i.u.bf16.f32 v6;
	v2 =	vadd.f32 v11, v2;
	v60 =	vadd.f32 v43, v58  }
0x158: {  	v59 =	vunpack.i.u.bf16.f32 v5;
	v54 =	vadd.f32 v53, v15;
	v6 =	vadd.f32 v6, v13  }
0x159: {  	v5 =	vunpack.i.l.bf16.f32 v5;
	v7 =	vadd.f32 v57, v7;
	v8 =	vadd.f32 v56, v8  }
0x15a: {  	v55 =	vunpack.i.l.bf16.f32 v18;
	v2 =	vadd.f32 v59, v2;
	v5 =	vadd.f32 v5, v60  }
0x15b: {  	v62 =	vunpack.i.u.bf16.f32 v18;
	v12 =	vadd.f32 v55, v54;
	v7 =	vadd.f32 v47, v7  }
0x15c: {  	v8 =	vadd.f32 v61, v8;
	v6 =	vadd.f32 v62, v6  }
0x15d: {  	v3 =	vadd.f32 v3, v4;
	v2 =	vadd.f32 v2, v5  }
0x15e: {  	s25 =	sadd.s32 $0x1, s25;
	v7 =	vadd.f32 v7, v8;
	v63 =	vadd.f32 v6, v12  }
0x15f: {  	p0 =	sne.s32 s25, $0x5  }
.Ltmp6:
0x160: {  	v3 =	vadd.f32 v3, v7;
	v2 =	vadd.f32 v63, v2;
	(pc) =	sbr.rel @p0 .LBB2_12-.Ltmp6, $3  }
0x161: {  	_ = 	snop  }
0x162: {  	v2 =	vadd.f32 v2, v3;
	_ =	sdelay $0x1  }
0x163: {  	[tilespmem:s26+$0xC4E0] =	vst v2  }
0x164: {  	s23 =	sadd.s32 $0x1, s23  }
0x165: {  	p0 =	sne.s32 s23, s8  }
.Ltmp7:
0x166: {  	_ = 	snop;
	(pc) =	sbr.rel @p0 .LBB2_1-.Ltmp7, $4  }
0x167: {  	[hbm4b:s7+s2] =	stream.linear.scatter [tilespmem:s21], [sflag:$0x7], $0x2710, $0x38;
	[tilespmem:$0xC530] =	vst v63  }
0x168: {  	_ =	swait.ge [sflag:s22], $0x2710  }
0x169: {  	[sflag:s22] =	ssyncset.done $0x0  }
0x16a: {  	[sflag:s22] =	ssyncadd.s32 $0xFFFFD8F0  }
0x16b: {  	_ =	sfence.sel $0x180000  }
0x16c: {  	[bflag:$0x0] =	sbarrier.arrive $0xFFFF  }
0x16d: {  	_ =	strace $0x90000047  }
0x16e: {  	s0 =	stileid.u32;
	[bflag:$0x2] =	sbarrier.arrive $0xFFFF  }
0x16f: {  	p0 =	sne.s32 s0, $0x0;
	s0 =	rddreg [dreg:$0x2]  }
0x170: {  	s0 =	sadd.s32 @!p0 $0x100000, s0  }
0x171: {  	[sflag:s0] =	ssyncadd.tile.s32 @!p0 $0x1;
	_ =	shalt  }
.Lfunc_end2:
_tile_overlayer_lowered:
.L_overlay_start_2:
0x172: {  	(tag) =	ssettag $0x2  }
0x173: {  	s0 =	rddreg [dreg:$0x0];
	s2 =	stileid.u32  }
0x174: {  	s1 =	rddreg [dreg:$0x1];
	p0 =	sne.s32 s2, $0x0  }
0x175: {  	s3 =	rddreg [dreg:$0x2];
	[bflag:$0x3] =	sbarrier.arrive $0xFFFF;
	s2 =	simm.s32 @!p0 $0x1C07  }
0x176: {  	[timem:s3], [sflag:s2] =	dma.local @!p0 [hbm:s0], s1  }
0x177: {  	s0 =	simm.s32 @!p0 $0x7  }
0x178: {  	_ =	swait.ge @!p0 [sflag:s0], s1  }
0x179: {  	s1 =	ssub.s32 @!p0 $0x0, s1;
	[sflag:s0] =	ssyncset.done @!p0 $0x0  }
0x17a: {  	[sflag:s0] =	ssyncadd.s32 @!p0 s1  }
0x17b: {  	[bflag:$0x3] =	sbarrier.arrive $0xFFFF  }
0x17c: {  	_ =	shalt  }

</sc_bundles>
